<compile_context>
chip_gen: v7x
topology: tpu7x:2x2x1
jax: 0.10.2.dev20260603
libtpu: 0.0.44.dev20260713+nightly
codegen_flags: <defaults>
</compile_context>

<pallas_src>
import functools

import jax
import jax.numpy as jnp
from jax import lax
from jax.experimental import pallas as pl
from jax.experimental.pallas import tpu as pltpu
from jax.experimental.pallas import tpu_sc as plsc

NC = 2
NS = 16
NW = NC * NS
LANES = 16

_MESH = plsc.VectorSubcoreMesh(core_axis_name="c", subcore_axis_name="s")
_SC_PARAMS = pltpu.CompilerParams(use_tc_tiling_on_sc=False,
                                  needs_layout_passes=False)


def _zero_vmem2d(ref, rows, cols):
    z = jnp.zeros((LANES,), jnp.float32)

    def zrow(r, carry):
        def zcol(j, c2):
            ref[r, pl.ds(j * LANES, LANES)] = z
            return c2
        return lax.fori_loop(0, cols // LANES, zcol, carry)

    lax.fori_loop(0, rows, zrow, 0)


def _zero_vmem1d(ref, n):
    z = jnp.zeros((LANES,), jnp.float32)

    def zi(i, c):
        ref[pl.ds(i * LANES, LANES)] = z
        return c

    lax.fori_loop(0, n // LANES, zi, 0)


def _make_deg_kernel(E, NP):
    CH = 80
    EW = E // NW
    n_ch = EW // CH
    span = NP // NS

    @functools.partial(
        pl.kernel,
        out_type=jax.ShapeDtypeStruct((NC * NP,), jnp.float32),
        mesh=_MESH,
        compiler_params=_SC_PARAMS,
        scratch_types=dict(
            deg_sh=pltpu.VMEM_SHARED((NP,), jnp.float32),
            idx_v=pltpu.VMEM((CH,), jnp.int32),
            ones_v=pltpu.VMEM((CH,), jnp.float32),
            zbuf=pltpu.VMEM((span,), jnp.float32),
        ),
    )
    def deg_kernel(dst_hbm, out_hbm, deg_sh, idx_v, ones_v, zbuf):
        c = lax.axis_index("c")
        s = lax.axis_index("s")
        one = jnp.ones((LANES,), jnp.float32)

        def fo(i, cc):
            ones_v[pl.ds(i * LANES, LANES)] = one
            return cc

        lax.fori_loop(0, CH // LANES, fo, 0)
        _zero_vmem1d(zbuf, span)
        pltpu.sync_copy(zbuf, deg_sh.at[pl.ds(s * span, span)])
        plsc.subcore_barrier()

        base = (c * NS + s) * EW

        def step(i, cc):
            pltpu.sync_copy(dst_hbm.at[pl.ds(base + i * CH, CH)], idx_v)
            pltpu.sync_copy(ones_v, deg_sh.at[idx_v], add=True)
            return cc

        lax.fori_loop(0, n_ch, step, 0)
        plsc.subcore_barrier()
        pltpu.sync_copy(deg_sh.at[pl.ds(s * span, span)],
                        out_hbm.at[pl.ds(c * NP + s * span, span)])

    return deg_kernel


def _make_scatter_kernel(NPAD, D, E):
    CH = 80
    EW = E // NW
    n_ch = EW // CH
    span = NPAD // NS
    zrows = 128

    @functools.partial(
        pl.kernel,
        out_type=jax.ShapeDtypeStruct((NC * NPAD, D), jnp.float32),
        mesh=_MESH,
        compiler_params=_SC_PARAMS,
        scratch_types=dict(
            acc_sh=pltpu.VMEM_SHARED((NPAD, D), jnp.float32),
            idx_s=pltpu.VMEM((CH,), jnp.int32),
            idx_d=pltpu.VMEM((CH,), jnp.int32),
            rows_v=pltpu.VMEM((CH, D), jnp.float32),
            zbuf=pltpu.VMEM((zrows, D), jnp.float32),
            sem=pltpu.SemaphoreType.DMA,
        ),
    )
    def scatter_kernel(u_hbm, src_hbm, dst_hbm, out_hbm,
                       acc_sh, idx_s, idx_d, rows_v, zbuf, sem):
        c = lax.axis_index("c")
        s = lax.axis_index("s")
        _zero_vmem2d(zbuf, zrows, D)
        for k in range(span // zrows):
            pltpu.sync_copy(zbuf, acc_sh.at[pl.ds(s * span + k * zrows, zrows)])
        plsc.subcore_barrier()

        base = (c * NS + s) * EW

        def step(i, cc):
            pltpu.sync_copy(src_hbm.at[pl.ds(base + i * CH, CH)], idx_s)
            pltpu.sync_copy(dst_hbm.at[pl.ds(base + i * CH, CH)], idx_d)
            pltpu.async_copy(u_hbm.at[idx_s], rows_v, sem).wait()
            pltpu.sync_copy(rows_v, acc_sh.at[idx_d], add=True)
            return cc

        lax.fori_loop(0, n_ch, step, 0)
        plsc.subcore_barrier()
        pltpu.sync_copy(acc_sh.at[pl.ds(s * span, span)],
                        out_hbm.at[pl.ds(c * NPAD + s * span, span)])

    return scatter_kernel


def _make_decode_kernel(N, D, LP):
    CH = 128
    EW = LP // NW
    n_ch = EW // CH

    @functools.partial(
        pl.kernel,
        out_type=jax.ShapeDtypeStruct((LP,), jnp.float32),
        mesh=_MESH,
        compiler_params=_SC_PARAMS,
        scratch_types=dict(
            idx_s=pltpu.VMEM((CH,), jnp.int32),
            idx_d=pltpu.VMEM((CH,), jnp.int32),
            zs=pltpu.VMEM((CH, D), jnp.float32),
            zd=pltpu.VMEM((CH, D), jnp.float32),
            outv=pltpu.VMEM((CH,), jnp.float32),
            sem_a=pltpu.SemaphoreType.DMA,
            sem_b=pltpu.SemaphoreType.DMA,
        ),
    )
    def decode_kernel(z_hbm, ls_hbm, ld_hbm, out_hbm,
                      idx_s, idx_d, zs, zd, outv, sem_a, sem_b):
        c = lax.axis_index("c")
        s = lax.axis_index("s")
        base = (c * NS + s) * EW
        lane = lax.iota(jnp.int32, LANES)

        def step(i, cc):
            off = base + i * CH
            pltpu.sync_copy(ls_hbm.at[pl.ds(off, CH)], idx_s)
            pltpu.sync_copy(ld_hbm.at[pl.ds(off, CH)], idx_d)
            ca = pltpu.async_copy(z_hbm.at[idx_s], zs, sem_a)
            cb = pltpu.async_copy(z_hbm.at[idx_d], zd, sem_b)
            ca.wait()
            cb.wait()
            for g in range(CH // LANES):
                rows = g * LANES + lane

                def dot_step(j, acc):
                    cols = (j + lane) & (D - 1)
                    a = plsc.load_gather(zs, [rows, cols])
                    b = plsc.load_gather(zd, [rows, cols])
                    return acc + a * b

                acc = lax.fori_loop(0, D, dot_step,
                                    jnp.zeros((LANES,), jnp.float32))
                outv[pl.ds(g * LANES, LANES)] = acc
            pltpu.sync_copy(outv, out_hbm.at[pl.ds(off, CH)])
            return cc

        lax.fori_loop(0, n_ch, step, 0)

    return decode_kernel


def _tc1_body(x_ref, w_ref, d0_ref, d1_ref, u1_ref, dinv_ref):
    deg = d0_ref[...] + d1_ref[...] + 1.0
    dinv = lax.rsqrt(deg)
    dinv_ref[...] = dinv
    u1_ref[...] = jnp.dot(x_ref[...], w_ref[...],
                          preferred_element_type=jnp.float32) * dinv


def _tc2_body(a0_ref, a1_ref, u1_ref, dinv_ref, b1_ref, w2_ref, u2_ref):
    dinv = dinv_ref[...]
    h = jnp.maximum((a0_ref[...] + a1_ref[...] + u1_ref[...]) * dinv
                    + b1_ref[...], 0.0)
    u2_ref[...] = jnp.dot(h, w2_ref[...],
                          preferred_element_type=jnp.float32) * dinv


def _tc3_body(a0_ref, a1_ref, u2_ref, dinv_ref, b2_ref, z_ref):
    z_ref[...] = ((a0_ref[...] + a1_ref[...] + u2_ref[...]) * dinv_ref[...]
                  + b2_ref[...])


def kernel(x, edge_index, edge_label_index, W1, b1, W2, b2):
    N, Din = x.shape
    Dh = W1.shape[1]
    Do = W2.shape[1]
    E = edge_index.shape[1]
    L = edge_label_index.shape[1]
    NP = ((N + (NS * 16) - 1) // (NS * 16)) * (NS * 16)
    LP = ((L + (NW * 128) - 1) // (NW * 128)) * (NW * 128)

    src = edge_index[0]
    dst = edge_index[1]
    pad = jnp.zeros((LP - L,), jnp.int32)
    ls = jnp.concatenate([edge_label_index[0], pad])
    ld = jnp.concatenate([edge_label_index[1], pad])

    deg_p = _make_deg_kernel(E, NP)(dst)
    d0 = lax.slice(deg_p, (0,), (N,))[:, None]
    d1 = lax.slice(deg_p, (NP,), (NP + N,))[:, None]

    R = 1000
    grid = (N // R,)
    u1, dinv = pl.pallas_call(
        _tc1_body,
        grid=grid,
        in_specs=[
            pl.BlockSpec((R, Din), lambda i: (i, 0)),
            pl.BlockSpec((Din, Dh), lambda i: (0, 0)),
            pl.BlockSpec((R, 1), lambda i: (i, 0)),
            pl.BlockSpec((R, 1), lambda i: (i, 0)),
        ],
        out_specs=[
            pl.BlockSpec((R, Dh), lambda i: (i, 0)),
            pl.BlockSpec((R, 1), lambda i: (i, 0)),
        ],
        out_shape=[
            jax.ShapeDtypeStruct((N, Dh), jnp.float32),
            jax.ShapeDtypeStruct((N, 1), jnp.float32),
        ],
    )(x, W1, d0, d1)

    acc1 = _make_scatter_kernel(NP, Dh, E)(u1, src, dst)
    a10 = lax.slice(acc1, (0, 0), (N, Dh))
    a11 = lax.slice(acc1, (NP, 0), (NP + N, Dh))

    u2 = pl.pallas_call(
        _tc2_body,
        grid=grid,
        in_specs=[
            pl.BlockSpec((R, Dh), lambda i: (i, 0)),
            pl.BlockSpec((R, Dh), lambda i: (i, 0)),
            pl.BlockSpec((R, Dh), lambda i: (i, 0)),
            pl.BlockSpec((R, 1), lambda i: (i, 0)),
            pl.BlockSpec((1, Dh), lambda i: (0, 0)),
            pl.BlockSpec((Dh, Do), lambda i: (0, 0)),
        ],
        out_specs=pl.BlockSpec((R, Do), lambda i: (i, 0)),
        out_shape=jax.ShapeDtypeStruct((N, Do), jnp.float32),
    )(a10, a11, u1, dinv, b1[None, :], W2)

    acc2 = _make_scatter_kernel(NP, Do, E)(u2, src, dst)
    a20 = lax.slice(acc2, (0, 0), (N, Do))
    a21 = lax.slice(acc2, (NP, 0), (NP + N, Do))

    z = pl.pallas_call(
        _tc3_body,
        grid=grid,
        in_specs=[
            pl.BlockSpec((R, Do), lambda i: (i, 0)),
            pl.BlockSpec((R, Do), lambda i: (i, 0)),
            pl.BlockSpec((R, Do), lambda i: (i, 0)),
            pl.BlockSpec((R, 1), lambda i: (i, 0)),
            pl.BlockSpec((1, Do), lambda i: (0, 0)),
        ],
        out_specs=pl.BlockSpec((R, Do), lambda i: (i, 0)),
        out_shape=jax.ShapeDtypeStruct((N, Do), jnp.float32),
    )(a20, a21, u2, dinv, b2[None, :])

    logits_p = _make_decode_kernel(N, Do, LP)(z, ls, ld)
    return lax.slice(logits_p, (0,), (L,))

# --- scband reference (transcript-rebuilt; emitter-appended) ---
"""Pipeline reference for scband-vgae-1778116461256 (READ-ONLY COPY).

The authoritative reference and input builder live on the scoring server;
editing this copy changes nothing except your own understanding.
"""

import jax, jax.numpy as jnp
import numpy as np

N_NODES = 10000
D_IN = 128
D_HID = 128
D_OUT = 64
N_EDGES = 320000
N_LABEL = 200000


def gcn_conv(x, edge_index, W, b):
    # PyG GCNConv: add self-loops, symmetric normalization D^-1/2 A_hat D^-1/2, then X W + b
    n = x.shape[0]
    loop = jnp.arange(n, dtype=edge_index.dtype)
    src = jnp.concatenate([edge_index[0], loop])
    dst = jnp.concatenate([edge_index[1], loop])
    deg = jax.ops.segment_sum(jnp.ones(src.shape[0], dtype=x.dtype), dst, num_segments=n)
    dinv = jnp.where(deg > 0, jax.lax.rsqrt(deg), 0.0)
    norm = dinv[src] * dinv[dst]
    h = x @ W
    msg = h[src] * norm[:, None]
    out = jax.ops.segment_sum(msg, dst, num_segments=n)
    return out + b


def setup_inputs(seed: int = 0) -> dict:
    key = jax.random.key(seed)
    ks = jax.random.split(key, 8)
    x = jax.random.normal(ks[0], (N_NODES, D_IN), dtype=jnp.float32)
    edge_index = jax.random.randint(ks[1], (2, N_EDGES), 0, N_NODES, dtype=jnp.int32)
    edge_label_index = jax.random.randint(ks[2], (2, N_LABEL), 0, N_NODES, dtype=jnp.int32)
    W1 = jax.random.normal(ks[3], (D_IN, D_HID), dtype=jnp.float32) * (1.0 / np.sqrt(D_IN))
    b1 = jnp.zeros((D_HID,), dtype=jnp.float32)
    W2 = jax.random.normal(ks[4], (D_HID, D_OUT), dtype=jnp.float32) * (1.0 / np.sqrt(D_HID))
    b2 = jnp.zeros((D_OUT,), dtype=jnp.float32)
    return {"x": x, "edge_index": edge_index, "edge_label_index": edge_label_index,
            "W1": W1, "b1": b1, "W2": W2, "b2": b2}


def reference(x, edge_index, edge_label_index, W1, b1, W2, b2):
    # encode
    h = jax.nn.relu(gcn_conv(x, edge_index, W1, b1))
    z = gcn_conv(h, edge_index, W2, b2)
    # decode: inner product on candidate edges
    logits = jnp.sum(z[edge_label_index[0]] * z[edge_label_index[1]], axis=-1)
    return logits

if __name__ == "__main__":
    import jax
    _d = setup_inputs()
    print(jax.jit(kernel)(*tuple(_d.values())))

</pallas_src>

<mosaic_0001>
#map = affine_map<(d0, d1) -> (0, 0)>
#map1 = affine_map<(d0, d1) -> (0)>
module attributes {stable_mosaic.version = 14 : i64} {
  func.func @scatter_kernel(%arg0: i32, %arg1: i32, %arg2: memref<10000x64xf32, #tpu.memory_space<hbm>>, %arg3: memref<320000xi32, #tpu.memory_space<hbm>>, %arg4: memref<320000xi32, #tpu.memory_space<hbm>>, %arg5: memref<20480x64xf32, #tpu.memory_space<hbm>>, %arg6: memref<10240x64xf32, #tpu.memory_space<vmem_shared>>, %arg7: memref<80xi32, #tpu.memory_space<vmem>>, %arg8: memref<80xi32, #tpu.memory_space<vmem>>, %arg9: memref<80x64xf32, #tpu.memory_space<vmem>>, %arg10: memref<!tpu.dma_semaphore, #tpu.memory_space<semaphore_mem>>, %arg11: memref<128x64xf32, #tpu.memory_space<vmem>>) attributes {dimension_semantics = [#tpu.dimension_semantics<core_parallel>, #tpu.dimension_semantics<subcore_parallel>], iteration_bounds = array<i64: 2, 16>, scalar_prefetch = 0 : i64, scratch_operands = 6 : i64, tpu.core_type = #tpu.core_type<sc_vector_subcore>, window_params = [{transform_indices = #map}, {transform_indices = #map1}, {transform_indices = #map1}, {transform_indices = #map}]} {
    %broadcast_in_dim3A = arith.constant 0.000000e+00 : f32
    %broadcast_in_dim3A_0 = vector.broadcast %broadcast_in_dim3A : f32 to vector<16xf32>
    %scan3A = arith.constant 0 : i32
    %scan3A_1 = arith.constant 0 : i32
    %scan3A_2 = arith.constant 128 : i32
    %scan3A_3 = arith.addi %scan3A_1, %scan3A_2 : i32
    %scan3A_4 = arith.constant 1 : i32
    scf.for %scan3A_43 = %scan3A_1 to %scan3A_3 step %scan3A_4  : i32 {
      %scan3A_44 = arith.constant 0 : i32
      %scan3A_45 = arith.constant 4 : i32
      %scan3A_46 = arith.addi %scan3A_44, %scan3A_45 : i32
      %scan3A_47 = arith.constant 1 : i32
      scf.for %scan3A_49 = %scan3A_44 to %scan3A_46 step %scan3A_47  : i32 {
        %mul3A_50 = arith.constant 16 : i32
        %mul3A_51 = arith.muli %scan3A_49, %mul3A_50 : i32
        %swap3A = arith.index_cast %scan3A_43 : i32 to index
        %swap3A_52 = arith.index_cast %mul3A_51 : i32 to index
        %swap3A_53 = tpu.vector_load %arg11[%swap3A, %swap3A_52] {strides = array<i32>} : memref<128x64xf32, #tpu.memory_space<vmem>>, vector<16xf32>,
        tpu.vector_store %arg11[%swap3A, %swap3A_52], %broadcast_in_dim3A_0 {strides = array<i32>} : memref<128x64xf32, #tpu.memory_space<vmem>>, vector<16xf32>,
      }
      %scan3A_48 = arith.constant 4 : i32
    }
    %scan3A_5 = arith.constant 128 : i32
    %mul3A = arith.constant 640 : i32
    %mul3A_6 = arith.muli %arg1, %mul3A : i32
    %add3A = arith.constant 0 : i32
    %add3A_7 = arith.addi %mul3A_6, %add3A : i32
    "tpu.region"() ({
      %run_scoped3A = tpu.sem_alloc : memref<!tpu.dma_semaphore, #tpu.memory_space<semaphore_mem>>
      %dma_start3A = arith.constant 0 : i32
      %dma_start3A_43 = tpu.memref_slice %arg6[%add3A_7, %dma_start3A] : memref<10240x64xf32, #tpu.memory_space<vmem_shared>> -> memref<128x64xf32, #tpu.memory_space<vmem_shared>>
      %dma_start3A_44 = arith.constant 0 : i32
      %dma_start3A_45 = tpu.memref_slice %arg6[%add3A_7, %dma_start3A_44] : memref<10240x64xf32, #tpu.memory_space<vmem_shared>> -> memref<128x64xf32, #tpu.memory_space<vmem_shared>>
      tpu.enqueue_dma source(%arg11 : memref<128x64xf32, #tpu.memory_space<vmem>>) target(%dma_start3A_45 : memref<128x64xf32, #tpu.memory_space<vmem_shared>>) target_semaphore(%run_scoped3A : memref<!tpu.dma_semaphore, #tpu.memory_space<semaphore_mem>>)
      %dma_wait3A = arith.constant 0 : i32
      %dma_wait3A_46 = tpu.memref_slice %arg6[%add3A_7, %dma_wait3A] : memref<10240x64xf32, #tpu.memory_space<vmem_shared>> -> memref<128x64xf32, #tpu.memory_space<vmem_shared>>
      %dma_wait3A_47 = arith.constant 0 : i32
      %dma_wait3A_48 = tpu.memref_slice %arg6[%add3A_7, %dma_wait3A_47] : memref<10240x64xf32, #tpu.memory_space<vmem_shared>> -> memref<128x64xf32, #tpu.memory_space<vmem_shared>>
      tpu.wait_dma2 semaphore(%run_scoped3A : memref<!tpu.dma_semaphore, #tpu.memory_space<semaphore_mem>>) src(%arg11 : memref<128x64xf32, #tpu.memory_space<vmem>>) dst(%dma_wait3A_48 : memref<128x64xf32, #tpu.memory_space<vmem_shared>>)
      tpu.yield
    }) : () -> ()
    %mul3A_8 = arith.constant 640 : i32
    %mul3A_9 = arith.muli %arg1, %mul3A_8 : i32
    %add3A_10 = arith.constant 128 : i32
    %add3A_11 = arith.addi %mul3A_9, %add3A_10 : i32
    "tpu.region"() ({
      %run_scoped3A = tpu.sem_alloc : memref<!tpu.dma_semaphore, #tpu.memory_space<semaphore_mem>>
      %dma_start3A = arith.constant 0 : i32
      %dma_start3A_43 = tpu.memref_slice %arg6[%add3A_11, %dma_start3A] : memref<10240x64xf32, #tpu.memory_space<vmem_shared>> -> memref<128x64xf32, #tpu.memory_space<vmem_shared>>
      %dma_start3A_44 = arith.constant 0 : i32
      %dma_start3A_45 = tpu.memref_slice %arg6[%add3A_11, %dma_start3A_44] : memref<10240x64xf32, #tpu.memory_space<vmem_shared>> -> memref<128x64xf32, #tpu.memory_space<vmem_shared>>
      tpu.enqueue_dma source(%arg11 : memref<128x64xf32, #tpu.memory_space<vmem>>) target(%dma_start3A_45 : memref<128x64xf32, #tpu.memory_space<vmem_shared>>) target_semaphore(%run_scoped3A : memref<!tpu.dma_semaphore, #tpu.memory_space<semaphore_mem>>)
      %dma_wait3A = arith.constant 0 : i32
      %dma_wait3A_46 = tpu.memref_slice %arg6[%add3A_11, %dma_wait3A] : memref<10240x64xf32, #tpu.memory_space<vmem_shared>> -> memref<128x64xf32, #tpu.memory_space<vmem_shared>>
      %dma_wait3A_47 = arith.constant 0 : i32
      %dma_wait3A_48 = tpu.memref_slice %arg6[%add3A_11, %dma_wait3A_47] : memref<10240x64xf32, #tpu.memory_space<vmem_shared>> -> memref<128x64xf32, #tpu.memory_space<vmem_shared>>
      tpu.wait_dma2 semaphore(%run_scoped3A : memref<!tpu.dma_semaphore, #tpu.memory_space<semaphore_mem>>) src(%arg11 : memref<128x64xf32, #tpu.memory_space<vmem>>) dst(%dma_wait3A_48 : memref<128x64xf32, #tpu.memory_space<vmem_shared>>)
      tpu.yield
    }) : () -> ()
    %mul3A_12 = arith.constant 640 : i32
    %mul3A_13 = arith.muli %arg1, %mul3A_12 : i32
    %add3A_14 = arith.constant 256 : i32
    %add3A_15 = arith.addi %mul3A_13, %add3A_14 : i32
    "tpu.region"() ({
      %run_scoped3A = tpu.sem_alloc : memref<!tpu.dma_semaphore, #tpu.memory_space<semaphore_mem>>
      %dma_start3A = arith.constant 0 : i32
      %dma_start3A_43 = tpu.memref_slice %arg6[%add3A_15, %dma_start3A] : memref<10240x64xf32, #tpu.memory_space<vmem_shared>> -> memref<128x64xf32, #tpu.memory_space<vmem_shared>>
      %dma_start3A_44 = arith.constant 0 : i32
      %dma_start3A_45 = tpu.memref_slice %arg6[%add3A_15, %dma_start3A_44] : memref<10240x64xf32, #tpu.memory_space<vmem_shared>> -> memref<128x64xf32, #tpu.memory_space<vmem_shared>>
      tpu.enqueue_dma source(%arg11 : memref<128x64xf32, #tpu.memory_space<vmem>>) target(%dma_start3A_45 : memref<128x64xf32, #tpu.memory_space<vmem_shared>>) target_semaphore(%run_scoped3A : memref<!tpu.dma_semaphore, #tpu.memory_space<semaphore_mem>>)
      %dma_wait3A = arith.constant 0 : i32
      %dma_wait3A_46 = tpu.memref_slice %arg6[%add3A_15, %dma_wait3A] : memref<10240x64xf32, #tpu.memory_space<vmem_shared>> -> memref<128x64xf32, #tpu.memory_space<vmem_shared>>
      %dma_wait3A_47 = arith.constant 0 : i32
      %dma_wait3A_48 = tpu.memref_slice %arg6[%add3A_15, %dma_wait3A_47] : memref<10240x64xf32, #tpu.memory_space<vmem_shared>> -> memref<128x64xf32, #tpu.memory_space<vmem_shared>>
      tpu.wait_dma2 semaphore(%run_scoped3A : memref<!tpu.dma_semaphore, #tpu.memory_space<semaphore_mem>>) src(%arg11 : memref<128x64xf32, #tpu.memory_space<vmem>>) dst(%dma_wait3A_48 : memref<128x64xf32, #tpu.memory_space<vmem_shared>>)
      tpu.yield
    }) : () -> ()
    %mul3A_16 = arith.constant 640 : i32
    %mul3A_17 = arith.muli %arg1, %mul3A_16 : i32
    %add3A_18 = arith.constant 384 : i32
    %add3A_19 = arith.addi %mul3A_17, %add3A_18 : i32
    "tpu.region"() ({
      %run_scoped3A = tpu.sem_alloc : memref<!tpu.dma_semaphore, #tpu.memory_space<semaphore_mem>>
      %dma_start3A = arith.constant 0 : i32
      %dma_start3A_43 = tpu.memref_slice %arg6[%add3A_19, %dma_start3A] : memref<10240x64xf32, #tpu.memory_space<vmem_shared>> -> memref<128x64xf32, #tpu.memory_space<vmem_shared>>
      %dma_start3A_44 = arith.constant 0 : i32
      %dma_start3A_45 = tpu.memref_slice %arg6[%add3A_19, %dma_start3A_44] : memref<10240x64xf32, #tpu.memory_space<vmem_shared>> -> memref<128x64xf32, #tpu.memory_space<vmem_shared>>
      tpu.enqueue_dma source(%arg11 : memref<128x64xf32, #tpu.memory_space<vmem>>) target(%dma_start3A_45 : memref<128x64xf32, #tpu.memory_space<vmem_shared>>) target_semaphore(%run_scoped3A : memref<!tpu.dma_semaphore, #tpu.memory_space<semaphore_mem>>)
      %dma_wait3A = arith.constant 0 : i32
      %dma_wait3A_46 = tpu.memref_slice %arg6[%add3A_19, %dma_wait3A] : memref<10240x64xf32, #tpu.memory_space<vmem_shared>> -> memref<128x64xf32, #tpu.memory_space<vmem_shared>>
      %dma_wait3A_47 = arith.constant 0 : i32
      %dma_wait3A_48 = tpu.memref_slice %arg6[%add3A_19, %dma_wait3A_47] : memref<10240x64xf32, #tpu.memory_space<vmem_shared>> -> memref<128x64xf32, #tpu.memory_space<vmem_shared>>
      tpu.wait_dma2 semaphore(%run_scoped3A : memref<!tpu.dma_semaphore, #tpu.memory_space<semaphore_mem>>) src(%arg11 : memref<128x64xf32, #tpu.memory_space<vmem>>) dst(%dma_wait3A_48 : memref<128x64xf32, #tpu.memory_space<vmem_shared>>)
      tpu.yield
    }) : () -> ()
    %mul3A_20 = arith.constant 640 : i32
    %mul3A_21 = arith.muli %arg1, %mul3A_20 : i32
    %add3A_22 = arith.constant 512 : i32
    %add3A_23 = arith.addi %mul3A_21, %add3A_22 : i32
    "tpu.region"() ({
      %run_scoped3A = tpu.sem_alloc : memref<!tpu.dma_semaphore, #tpu.memory_space<semaphore_mem>>
      %dma_start3A = arith.constant 0 : i32
      %dma_start3A_43 = tpu.memref_slice %arg6[%add3A_23, %dma_start3A] : memref<10240x64xf32, #tpu.memory_space<vmem_shared>> -> memref<128x64xf32, #tpu.memory_space<vmem_shared>>
      %dma_start3A_44 = arith.constant 0 : i32
      %dma_start3A_45 = tpu.memref_slice %arg6[%add3A_23, %dma_start3A_44] : memref<10240x64xf32, #tpu.memory_space<vmem_shared>> -> memref<128x64xf32, #tpu.memory_space<vmem_shared>>
      tpu.enqueue_dma source(%arg11 : memref<128x64xf32, #tpu.memory_space<vmem>>) target(%dma_start3A_45 : memref<128x64xf32, #tpu.memory_space<vmem_shared>>) target_semaphore(%run_scoped3A : memref<!tpu.dma_semaphore, #tpu.memory_space<semaphore_mem>>)
      %dma_wait3A = arith.constant 0 : i32
      %dma_wait3A_46 = tpu.memref_slice %arg6[%add3A_23, %dma_wait3A] : memref<10240x64xf32, #tpu.memory_space<vmem_shared>> -> memref<128x64xf32, #tpu.memory_space<vmem_shared>>
      %dma_wait3A_47 = arith.constant 0 : i32
      %dma_wait3A_48 = tpu.memref_slice %arg6[%add3A_23, %dma_wait3A_47] : memref<10240x64xf32, #tpu.memory_space<vmem_shared>> -> memref<128x64xf32, #tpu.memory_space<vmem_shared>>
      tpu.wait_dma2 semaphore(%run_scoped3A : memref<!tpu.dma_semaphore, #tpu.memory_space<semaphore_mem>>) src(%arg11 : memref<128x64xf32, #tpu.memory_space<vmem>>) dst(%dma_wait3A_48 : memref<128x64xf32, #tpu.memory_space<vmem_shared>>)
      tpu.yield
    }) : () -> ()
    %barrier3A = arith.constant 0 : index
    tpu.barrier barrier_id(%barrier3A)
    %mul3A_24 = arith.constant 16 : i32
    %mul3A_25 = arith.muli %arg0, %mul3A_24 : i32
    %add3A_26 = arith.addi %mul3A_25, %arg1 : i32
    %mul3A_27 = arith.constant 10000 : i32
    %mul3A_28 = arith.muli %add3A_26, %mul3A_27 : i32
    %scan3A_29 = arith.constant 0 : i32
    %scan3A_30 = arith.constant 0 : i32
    %scan3A_31 = arith.constant 125 : i32
    %scan3A_32 = arith.addi %scan3A_30, %scan3A_31 : i32
    %scan3A_33 = arith.constant 1 : i32
    scf.for %scan3A_43 = %scan3A_30 to %scan3A_32 step %scan3A_33  : i32 {
      %mul3A_44 = arith.constant 80 : i32
      %mul3A_45 = arith.muli %scan3A_43, %mul3A_44 : i32
      %add3A_46 = arith.addi %mul3A_28, %mul3A_45 : i32
      "tpu.region"() ({
        %run_scoped3A = tpu.sem_alloc : memref<!tpu.dma_semaphore, #tpu.memory_space<semaphore_mem>>
        %dma_start3A_54 = tpu.memref_slice %arg3[%add3A_46] : memref<320000xi32, #tpu.memory_space<hbm>> -> memref<80xi32, #tpu.memory_space<hbm>>
        %dma_start3A_55 = tpu.memref_slice %arg3[%add3A_46] : memref<320000xi32, #tpu.memory_space<hbm>> -> memref<80xi32, #tpu.memory_space<hbm>>
        tpu.enqueue_dma source(%dma_start3A_55 : memref<80xi32, #tpu.memory_space<hbm>>) target(%arg8 : memref<80xi32, #tpu.memory_space<vmem>>) target_semaphore(%run_scoped3A : memref<!tpu.dma_semaphore, #tpu.memory_space<semaphore_mem>>)
        %dma_wait3A_56 = tpu.memref_slice %arg3[%add3A_46] : memref<320000xi32, #tpu.memory_space<hbm>> -> memref<80xi32, #tpu.memory_space<hbm>>
        %dma_wait3A_57 = tpu.memref_slice %arg3[%add3A_46] : memref<320000xi32, #tpu.memory_space<hbm>> -> memref<80xi32, #tpu.memory_space<hbm>>
        tpu.wait_dma2 semaphore(%run_scoped3A : memref<!tpu.dma_semaphore, #tpu.memory_space<semaphore_mem>>) src(%dma_wait3A_57 : memref<80xi32, #tpu.memory_space<hbm>>) dst(%arg8 : memref<80xi32, #tpu.memory_space<vmem>>)
        tpu.yield
      }) : () -> ()
      %mul3A_47 = arith.constant 80 : i32
      %mul3A_48 = arith.muli %scan3A_43, %mul3A_47 : i32
      %add3A_49 = arith.addi %mul3A_28, %mul3A_48 : i32
      "tpu.region"() ({
        %run_scoped3A = tpu.sem_alloc : memref<!tpu.dma_semaphore, #tpu.memory_space<semaphore_mem>>
        %dma_start3A_54 = tpu.memref_slice %arg4[%add3A_49] : memref<320000xi32, #tpu.memory_space<hbm>> -> memref<80xi32, #tpu.memory_space<hbm>>
        %dma_start3A_55 = tpu.memref_slice %arg4[%add3A_49] : memref<320000xi32, #tpu.memory_space<hbm>> -> memref<80xi32, #tpu.memory_space<hbm>>
        tpu.enqueue_dma source(%dma_start3A_55 : memref<80xi32, #tpu.memory_space<hbm>>) target(%arg7 : memref<80xi32, #tpu.memory_space<vmem>>) target_semaphore(%run_scoped3A : memref<!tpu.dma_semaphore, #tpu.memory_space<semaphore_mem>>)
        %dma_wait3A_56 = tpu.memref_slice %arg4[%add3A_49] : memref<320000xi32, #tpu.memory_space<hbm>> -> memref<80xi32, #tpu.memory_space<hbm>>
        %dma_wait3A_57 = tpu.memref_slice %arg4[%add3A_49] : memref<320000xi32, #tpu.memory_space<hbm>> -> memref<80xi32, #tpu.memory_space<hbm>>
        tpu.wait_dma2 semaphore(%run_scoped3A : memref<!tpu.dma_semaphore, #tpu.memory_space<semaphore_mem>>) src(%dma_wait3A_57 : memref<80xi32, #tpu.memory_space<hbm>>) dst(%arg7 : memref<80xi32, #tpu.memory_space<vmem>>)
        tpu.yield
      }) : () -> ()
      %dma_start3A = arith.constant 0 : i32
      %dma_start3A_50 = arith.constant 0 : i32
      %dma_start3A_51 = tpu.memref_slice %arg2[%dma_start3A, %dma_start3A_50] : memref<10000x64xf32, #tpu.memory_space<hbm>> -> memref<10000x64xf32, #tpu.memory_space<hbm>>
      tpu.enqueue_indirect_dma source(%dma_start3A_51 : memref<10000x64xf32, #tpu.memory_space<hbm>>) target(%arg9 : memref<80x64xf32, #tpu.memory_space<vmem>>) offsets(%arg8 : memref<80xi32, #tpu.memory_space<vmem>>) semaphore(%arg10 : memref<!tpu.dma_semaphore, #tpu.memory_space<semaphore_mem>>)
      %dma_wait3A = arith.constant 0 : i32
      %dma_wait3A_52 = arith.constant 0 : i32
      %dma_wait3A_53 = tpu.memref_slice %arg2[%dma_wait3A, %dma_wait3A_52] : memref<10000x64xf32, #tpu.memory_space<hbm>> -> memref<10000x64xf32, #tpu.memory_space<hbm>>
      tpu.wait_indirect_dma semaphore(%arg10 : memref<!tpu.dma_semaphore, #tpu.memory_space<semaphore_mem>>) src(%dma_wait3A_53 : memref<10000x64xf32, #tpu.memory_space<hbm>>) dst(%arg9 : memref<80x64xf32, #tpu.memory_space<vmem>>)
      "tpu.region"() ({
        %run_scoped3A = tpu.sem_alloc : memref<!tpu.dma_semaphore, #tpu.memory_space<semaphore_mem>>
        %dma_start3A_54 = arith.constant 0 : i32
        %dma_start3A_55 = arith.constant 0 : i32
        %dma_start3A_56 = tpu.memref_slice %arg6[%dma_start3A_54, %dma_start3A_55] : memref<10240x64xf32, #tpu.memory_space<vmem_shared>> -> memref<10240x64xf32, #tpu.memory_space<vmem_shared>>
        tpu.enqueue_indirect_dma source(%arg9 : memref<80x64xf32, #tpu.memory_space<vmem>>) target(%dma_start3A_56 : memref<10240x64xf32, #tpu.memory_space<vmem_shared>>) offsets(%arg7 : memref<80xi32, #tpu.memory_space<vmem>>) semaphore(%run_scoped3A : memref<!tpu.dma_semaphore, #tpu.memory_space<semaphore_mem>>) {add = true}
        %dma_wait3A_57 = arith.constant 0 : i32
        %dma_wait3A_58 = arith.constant 0 : i32
        %dma_wait3A_59 = tpu.memref_slice %arg6[%dma_wait3A_57, %dma_wait3A_58] : memref<10240x64xf32, #tpu.memory_space<vmem_shared>> -> memref<10240x64xf32, #tpu.memory_space<vmem_shared>>
        tpu.wait_indirect_dma semaphore(%run_scoped3A : memref<!tpu.dma_semaphore, #tpu.memory_space<semaphore_mem>>) src(%arg9 : memref<80x64xf32, #tpu.memory_space<vmem>>) dst(%dma_wait3A_59 : memref<10240x64xf32, #tpu.memory_space<vmem_shared>>)
        tpu.yield
      }) : () -> ()
    }
    %scan3A_34 = arith.constant 125 : i32
    %barrier3A_35 = arith.constant 0 : index
    tpu.barrier barrier_id(%barrier3A_35)
    %mul3A_36 = arith.constant 640 : i32
    %mul3A_37 = arith.muli %arg1, %mul3A_36 : i32
    %mul3A_38 = arith.constant 10240 : i32
    %mul3A_39 = arith.muli %arg0, %mul3A_38 : i32
    %mul3A_40 = arith.constant 640 : i32
    %mul3A_41 = arith.muli %arg1, %mul3A_40 : i32
    %add3A_42 = arith.addi %mul3A_39, %mul3A_41 : i32
    "tpu.region"() ({
      %run_scoped3A = tpu.sem_alloc : memref<!tpu.dma_semaphore, #tpu.memory_space<semaphore_mem>>
      %dma_start3A = arith.constant 0 : i32
      %dma_start3A_43 = tpu.memref_slice %arg5[%add3A_42, %dma_start3A] : memref<20480x64xf32, #tpu.memory_space<hbm>> -> memref<640x64xf32, #tpu.memory_space<hbm>>
      %dma_start3A_44 = arith.constant 0 : i32
      %dma_start3A_45 = tpu.memref_slice %arg6[%mul3A_37, %dma_start3A_44] : memref<10240x64xf32, #tpu.memory_space<vmem_shared>> -> memref<640x64xf32, #tpu.memory_space<vmem_shared>>
      tpu.enqueue_dma source(%dma_start3A_45 : memref<640x64xf32, #tpu.memory_space<vmem_shared>>) target(%dma_start3A_43 : memref<640x64xf32, #tpu.memory_space<hbm>>) target_semaphore(%run_scoped3A : memref<!tpu.dma_semaphore, #tpu.memory_space<semaphore_mem>>)
      %dma_wait3A = arith.constant 0 : i32
      %dma_wait3A_46 = tpu.memref_slice %arg5[%add3A_42, %dma_wait3A] : memref<20480x64xf32, #tpu.memory_space<hbm>> -> memref<640x64xf32, #tpu.memory_space<hbm>>
      %dma_wait3A_47 = arith.constant 0 : i32
      %dma_wait3A_48 = tpu.memref_slice %arg6[%mul3A_37, %dma_wait3A_47] : memref<10240x64xf32, #tpu.memory_space<vmem_shared>> -> memref<640x64xf32, #tpu.memory_space<vmem_shared>>
      tpu.wait_dma2 semaphore(%run_scoped3A : memref<!tpu.dma_semaphore, #tpu.memory_space<semaphore_mem>>) src(%dma_wait3A_48 : memref<640x64xf32, #tpu.memory_space<vmem_shared>>) dst(%dma_wait3A_46 : memref<640x64xf32, #tpu.memory_space<hbm>>)
      tpu.yield
    }) : () -> ()
    return
  }
}

#map = affine_map<(d0, d1) -> (0)>
module attributes {stable_mosaic.version = 14 : i64} {
  func.func @deg_kernel(%arg0: i32, %arg1: i32, %arg2: memref<320000xi32, #tpu.memory_space<hbm>>, %arg3: memref<20480xf32, #tpu.memory_space<hbm>>, %arg4: memref<10240xf32, #tpu.memory_space<vmem_shared>>, %arg5: memref<80xi32, #tpu.memory_space<vmem>>, %arg6: memref<80xf32, #tpu.memory_space<vmem>>, %arg7: memref<640xf32, #tpu.memory_space<vmem>>) attributes {dimension_semantics = [#tpu.dimension_semantics<core_parallel>, #tpu.dimension_semantics<subcore_parallel>], iteration_bounds = array<i64: 2, 16>, scalar_prefetch = 0 : i64, scratch_operands = 4 : i64, tpu.core_type = #tpu.core_type<sc_vector_subcore>, window_params = [{transform_indices = #map}, {transform_indices = #map}]} {
    %broadcast_in_dim3A = arith.constant 1.000000e+00 : f32
    %broadcast_in_dim3A_0 = vector.broadcast %broadcast_in_dim3A : f32 to vector<16xf32>
    %scan3A = arith.constant 0 : i32
    %scan3A_1 = arith.constant 0 : i32
    %scan3A_2 = arith.constant 5 : i32
    %scan3A_3 = arith.addi %scan3A_1, %scan3A_2 : i32
    %scan3A_4 = arith.constant 1 : i32
    scf.for %scan3A_33 = %scan3A_1 to %scan3A_3 step %scan3A_4  : i32 {
      %mul3A_34 = arith.constant 16 : i32
      %mul3A_35 = arith.muli %scan3A_33, %mul3A_34 : i32
      %swap3A = arith.index_cast %mul3A_35 : i32 to index
      %swap3A_36 = tpu.vector_load %arg6[%swap3A] {strides = array<i32>} : memref<80xf32, #tpu.memory_space<vmem>>, vector<16xf32>,
      tpu.vector_store %arg6[%swap3A], %broadcast_in_dim3A_0 {strides = array<i32>} : memref<80xf32, #tpu.memory_space<vmem>>, vector<16xf32>,
    }
    %scan3A_5 = arith.constant 5 : i32
    %broadcast_in_dim3A_6 = arith.constant 0.000000e+00 : f32
    %broadcast_in_dim3A_7 = vector.broadcast %broadcast_in_dim3A_6 : f32 to vector<16xf32>
    %scan3A_8 = arith.constant 0 : i32
    %scan3A_9 = arith.constant 0 : i32
    %scan3A_10 = arith.constant 40 : i32
    %scan3A_11 = arith.addi %scan3A_9, %scan3A_10 : i32
    %scan3A_12 = arith.constant 1 : i32
    scf.for %scan3A_33 = %scan3A_9 to %scan3A_11 step %scan3A_12  : i32 {
      %mul3A_34 = arith.constant 16 : i32
      %mul3A_35 = arith.muli %scan3A_33, %mul3A_34 : i32
      %swap3A = arith.index_cast %mul3A_35 : i32 to index
      %swap3A_36 = tpu.vector_load %arg7[%swap3A] {strides = array<i32>} : memref<640xf32, #tpu.memory_space<vmem>>, vector<16xf32>,
      tpu.vector_store %arg7[%swap3A], %broadcast_in_dim3A_7 {strides = array<i32>} : memref<640xf32, #tpu.memory_space<vmem>>, vector<16xf32>,
    }
    %scan3A_13 = arith.constant 40 : i32
    %mul3A = arith.constant 640 : i32
    %mul3A_14 = arith.muli %arg1, %mul3A : i32
    "tpu.region"() ({
      %run_scoped3A = tpu.sem_alloc : memref<!tpu.dma_semaphore, #tpu.memory_space<semaphore_mem>>
      %dma_start3A = tpu.memref_slice %arg4[%mul3A_14] : memref<10240xf32, #tpu.memory_space<vmem_shared>> -> memref<640xf32, #tpu.memory_space<vmem_shared>>
      %dma_start3A_33 = tpu.memref_slice %arg4[%mul3A_14] : memref<10240xf32, #tpu.memory_space<vmem_shared>> -> memref<640xf32, #tpu.memory_space<vmem_shared>>
      tpu.enqueue_dma source(%arg7 : memref<640xf32, #tpu.memory_space<vmem>>) target(%dma_start3A_33 : memref<640xf32, #tpu.memory_space<vmem_shared>>) target_semaphore(%run_scoped3A : memref<!tpu.dma_semaphore, #tpu.memory_space<semaphore_mem>>)
      %dma_wait3A = tpu.memref_slice %arg4[%mul3A_14] : memref<10240xf32, #tpu.memory_space<vmem_shared>> -> memref<640xf32, #tpu.memory_space<vmem_shared>>
      %dma_wait3A_34 = tpu.memref_slice %arg4[%mul3A_14] : memref<10240xf32, #tpu.memory_space<vmem_shared>> -> memref<640xf32, #tpu.memory_space<vmem_shared>>
      tpu.wait_dma2 semaphore(%run_scoped3A : memref<!tpu.dma_semaphore, #tpu.memory_space<semaphore_mem>>) src(%arg7 : memref<640xf32, #tpu.memory_space<vmem>>) dst(%dma_wait3A_34 : memref<640xf32, #tpu.memory_space<vmem_shared>>)
      tpu.yield
    }) : () -> ()
    %barrier3A = arith.constant 0 : index
    tpu.barrier barrier_id(%barrier3A)
    %mul3A_15 = arith.constant 16 : i32
    %mul3A_16 = arith.muli %arg0, %mul3A_15 : i32
    %add3A = arith.addi %mul3A_16, %arg1 : i32
    %mul3A_17 = arith.constant 10000 : i32
    %mul3A_18 = arith.muli %add3A, %mul3A_17 : i32
    %scan3A_19 = arith.constant 0 : i32
    %scan3A_20 = arith.constant 0 : i32
    %scan3A_21 = arith.constant 125 : i32
    %scan3A_22 = arith.addi %scan3A_20, %scan3A_21 : i32
    %scan3A_23 = arith.constant 1 : i32
    scf.for %scan3A_33 = %scan3A_20 to %scan3A_22 step %scan3A_23  : i32 {
      %mul3A_34 = arith.constant 80 : i32
      %mul3A_35 = arith.muli %scan3A_33, %mul3A_34 : i32
      %add3A_36 = arith.addi %mul3A_18, %mul3A_35 : i32
      "tpu.region"() ({
        %run_scoped3A = tpu.sem_alloc : memref<!tpu.dma_semaphore, #tpu.memory_space<semaphore_mem>>
        %dma_start3A = tpu.memref_slice %arg2[%add3A_36] : memref<320000xi32, #tpu.memory_space<hbm>> -> memref<80xi32, #tpu.memory_space<hbm>>
        %dma_start3A_37 = tpu.memref_slice %arg2[%add3A_36] : memref<320000xi32, #tpu.memory_space<hbm>> -> memref<80xi32, #tpu.memory_space<hbm>>
        tpu.enqueue_dma source(%dma_start3A_37 : memref<80xi32, #tpu.memory_space<hbm>>) target(%arg5 : memref<80xi32, #tpu.memory_space<vmem>>) target_semaphore(%run_scoped3A : memref<!tpu.dma_semaphore, #tpu.memory_space<semaphore_mem>>)
        %dma_wait3A = tpu.memref_slice %arg2[%add3A_36] : memref<320000xi32, #tpu.memory_space<hbm>> -> memref<80xi32, #tpu.memory_space<hbm>>
        %dma_wait3A_38 = tpu.memref_slice %arg2[%add3A_36] : memref<320000xi32, #tpu.memory_space<hbm>> -> memref<80xi32, #tpu.memory_space<hbm>>
        tpu.wait_dma2 semaphore(%run_scoped3A : memref<!tpu.dma_semaphore, #tpu.memory_space<semaphore_mem>>) src(%dma_wait3A_38 : memref<80xi32, #tpu.memory_space<hbm>>) dst(%arg5 : memref<80xi32, #tpu.memory_space<vmem>>)
        tpu.yield
      }) : () -> ()
      "tpu.region"() ({
        %run_scoped3A = tpu.sem_alloc : memref<!tpu.dma_semaphore, #tpu.memory_space<semaphore_mem>>
        %dma_start3A = arith.constant 0 : i32
        %dma_start3A_37 = tpu.memref_slice %arg4[%dma_start3A] : memref<10240xf32, #tpu.memory_space<vmem_shared>> -> memref<10240xf32, #tpu.memory_space<vmem_shared>>
        tpu.enqueue_indirect_dma source(%arg6 : memref<80xf32, #tpu.memory_space<vmem>>) target(%dma_start3A_37 : memref<10240xf32, #tpu.memory_space<vmem_shared>>) offsets(%arg5 : memref<80xi32, #tpu.memory_space<vmem>>) semaphore(%run_scoped3A : memref<!tpu.dma_semaphore, #tpu.memory_space<semaphore_mem>>) {add = true}
        %dma_wait3A = arith.constant 0 : i32
        %dma_wait3A_38 = tpu.memref_slice %arg4[%dma_wait3A] : memref<10240xf32, #tpu.memory_space<vmem_shared>> -> memref<10240xf32, #tpu.memory_space<vmem_shared>>
        tpu.wait_indirect_dma semaphore(%run_scoped3A : memref<!tpu.dma_semaphore, #tpu.memory_space<semaphore_mem>>) src(%arg6 : memref<80xf32, #tpu.memory_space<vmem>>) dst(%dma_wait3A_38 : memref<10240xf32, #tpu.memory_space<vmem_shared>>)
        tpu.yield
      }) : () -> ()
    }
    %scan3A_24 = arith.constant 125 : i32
    %barrier3A_25 = arith.constant 0 : index
    tpu.barrier barrier_id(%barrier3A_25)
    %mul3A_26 = arith.constant 640 : i32
    %mul3A_27 = arith.muli %arg1, %mul3A_26 : i32
    %mul3A_28 = arith.constant 10240 : i32
    %mul3A_29 = arith.muli %arg0, %mul3A_28 : i32
    %mul3A_30 = arith.constant 640 : i32
    %mul3A_31 = arith.muli %arg1, %mul3A_30 : i32
    %add3A_32 = arith.addi %mul3A_29, %mul3A_31 : i32
    "tpu.region"() ({
      %run_scoped3A = tpu.sem_alloc : memref<!tpu.dma_semaphore, #tpu.memory_space<semaphore_mem>>
      %dma_start3A = tpu.memref_slice %arg3[%add3A_32] : memref<20480xf32, #tpu.memory_space<hbm>> -> memref<640xf32, #tpu.memory_space<hbm>>
      %dma_start3A_33 = tpu.memref_slice %arg4[%mul3A_27] : memref<10240xf32, #tpu.memory_space<vmem_shared>> -> memref<640xf32, #tpu.memory_space<vmem_shared>>
      tpu.enqueue_dma source(%dma_start3A_33 : memref<640xf32, #tpu.memory_space<vmem_shared>>) target(%dma_start3A : memref<640xf32, #tpu.memory_space<hbm>>) target_semaphore(%run_scoped3A : memref<!tpu.dma_semaphore, #tpu.memory_space<semaphore_mem>>)
      %dma_wait3A = tpu.memref_slice %arg3[%add3A_32] : memref<20480xf32, #tpu.memory_space<hbm>> -> memref<640xf32, #tpu.memory_space<hbm>>
      %dma_wait3A_34 = tpu.memref_slice %arg4[%mul3A_27] : memref<10240xf32, #tpu.memory_space<vmem_shared>> -> memref<640xf32, #tpu.memory_space<vmem_shared>>
      tpu.wait_dma2 semaphore(%run_scoped3A : memref<!tpu.dma_semaphore, #tpu.memory_space<semaphore_mem>>) src(%dma_wait3A_34 : memref<640xf32, #tpu.memory_space<vmem_shared>>) dst(%dma_wait3A : memref<640xf32, #tpu.memory_space<hbm>>)
      tpu.yield
    }) : () -> ()
    return
  }
}

#map = affine_map<(d0, d1) -> (0, 0)>
#map1 = affine_map<(d0, d1) -> (0)>
module attributes {stable_mosaic.version = 14 : i64} {
  func.func @decode_kernel(%arg0: i32, %arg1: i32, %arg2: memref<10000x64xf32, #tpu.memory_space<hbm>>, %arg3: memref<200704xi32, #tpu.memory_space<hbm>>, %arg4: memref<200704xi32, #tpu.memory_space<hbm>>, %arg5: memref<200704xf32, #tpu.memory_space<hbm>>, %arg6: memref<128xi32, #tpu.memory_space<vmem>>, %arg7: memref<128xi32, #tpu.memory_space<vmem>>, %arg8: memref<128xf32, #tpu.memory_space<vmem>>, %arg9: memref<!tpu.dma_semaphore, #tpu.memory_space<semaphore_mem>>, %arg10: memref<!tpu.dma_semaphore, #tpu.memory_space<semaphore_mem>>, %arg11: memref<128x64xf32, #tpu.memory_space<vmem>>, %arg12: memref<128x64xf32, #tpu.memory_space<vmem>>) attributes {dimension_semantics = [#tpu.dimension_semantics<core_parallel>, #tpu.dimension_semantics<subcore_parallel>], iteration_bounds = array<i64: 2, 16>, scalar_prefetch = 0 : i64, scratch_operands = 7 : i64, tpu.core_type = #tpu.core_type<sc_vector_subcore>, window_params = [{transform_indices = #map}, {transform_indices = #map1}, {transform_indices = #map1}, {transform_indices = #map1}]} {
    %mul3A = arith.constant 16 : i32
    %mul3A_0 = arith.muli %arg0, %mul3A : i32
    %add3A = arith.addi %mul3A_0, %arg1 : i32
    %mul3A_1 = arith.constant 6272 : i32
    %mul3A_2 = arith.muli %add3A, %mul3A_1 : i32
    %iota3A = tpu.iota {dimensions = array<i32: 0>} : vector<16xi32>
    %scan3A = arith.constant 0 : i32
    %scan3A_3 = arith.constant 0 : i32
    %scan3A_4 = arith.constant 49 : i32
    %scan3A_5 = arith.addi %scan3A_3, %scan3A_4 : i32
    %scan3A_6 = arith.constant 1 : i32
    scf.for %scan3A_8 = %scan3A_3 to %scan3A_5 step %scan3A_6  : i32 {
      %mul3A_9 = arith.constant 128 : i32
      %mul3A_10 = arith.muli %scan3A_8, %mul3A_9 : i32
      %add3A_11 = arith.addi %mul3A_2, %mul3A_10 : i32
      "tpu.region"() ({
        %run_scoped3A = tpu.sem_alloc : memref<!tpu.dma_semaphore, #tpu.memory_space<semaphore_mem>>
        %dma_start3A_124 = tpu.memref_slice %arg3[%add3A_11] : memref<200704xi32, #tpu.memory_space<hbm>> -> memref<128xi32, #tpu.memory_space<hbm>>
        %dma_start3A_125 = tpu.memref_slice %arg3[%add3A_11] : memref<200704xi32, #tpu.memory_space<hbm>> -> memref<128xi32, #tpu.memory_space<hbm>>
        tpu.enqueue_dma source(%dma_start3A_125 : memref<128xi32, #tpu.memory_space<hbm>>) target(%arg7 : memref<128xi32, #tpu.memory_space<vmem>>) target_semaphore(%run_scoped3A : memref<!tpu.dma_semaphore, #tpu.memory_space<semaphore_mem>>)
        %dma_wait3A_126 = tpu.memref_slice %arg3[%add3A_11] : memref<200704xi32, #tpu.memory_space<hbm>> -> memref<128xi32, #tpu.memory_space<hbm>>
        %dma_wait3A_127 = tpu.memref_slice %arg3[%add3A_11] : memref<200704xi32, #tpu.memory_space<hbm>> -> memref<128xi32, #tpu.memory_space<hbm>>
        tpu.wait_dma2 semaphore(%run_scoped3A : memref<!tpu.dma_semaphore, #tpu.memory_space<semaphore_mem>>) src(%dma_wait3A_127 : memref<128xi32, #tpu.memory_space<hbm>>) dst(%arg7 : memref<128xi32, #tpu.memory_space<vmem>>)
        tpu.yield
      }) : () -> ()
      "tpu.region"() ({
        %run_scoped3A = tpu.sem_alloc : memref<!tpu.dma_semaphore, #tpu.memory_space<semaphore_mem>>
        %dma_start3A_124 = tpu.memref_slice %arg4[%add3A_11] : memref<200704xi32, #tpu.memory_space<hbm>> -> memref<128xi32, #tpu.memory_space<hbm>>
        %dma_start3A_125 = tpu.memref_slice %arg4[%add3A_11] : memref<200704xi32, #tpu.memory_space<hbm>> -> memref<128xi32, #tpu.memory_space<hbm>>
        tpu.enqueue_dma source(%dma_start3A_125 : memref<128xi32, #tpu.memory_space<hbm>>) target(%arg6 : memref<128xi32, #tpu.memory_space<vmem>>) target_semaphore(%run_scoped3A : memref<!tpu.dma_semaphore, #tpu.memory_space<semaphore_mem>>)
        %dma_wait3A_126 = tpu.memref_slice %arg4[%add3A_11] : memref<200704xi32, #tpu.memory_space<hbm>> -> memref<128xi32, #tpu.memory_space<hbm>>
        %dma_wait3A_127 = tpu.memref_slice %arg4[%add3A_11] : memref<200704xi32, #tpu.memory_space<hbm>> -> memref<128xi32, #tpu.memory_space<hbm>>
        tpu.wait_dma2 semaphore(%run_scoped3A : memref<!tpu.dma_semaphore, #tpu.memory_space<semaphore_mem>>) src(%dma_wait3A_127 : memref<128xi32, #tpu.memory_space<hbm>>) dst(%arg6 : memref<128xi32, #tpu.memory_space<vmem>>)
        tpu.yield
      }) : () -> ()
      %dma_start3A = arith.constant 0 : i32
      %dma_start3A_12 = arith.constant 0 : i32
      %dma_start3A_13 = tpu.memref_slice %arg2[%dma_start3A, %dma_start3A_12] : memref<10000x64xf32, #tpu.memory_space<hbm>> -> memref<10000x64xf32, #tpu.memory_space<hbm>>
      tpu.enqueue_indirect_dma source(%dma_start3A_13 : memref<10000x64xf32, #tpu.memory_space<hbm>>) target(%arg12 : memref<128x64xf32, #tpu.memory_space<vmem>>) offsets(%arg7 : memref<128xi32, #tpu.memory_space<vmem>>) semaphore(%arg9 : memref<!tpu.dma_semaphore, #tpu.memory_space<semaphore_mem>>)
      %dma_start3A_14 = arith.constant 0 : i32
      %dma_start3A_15 = arith.constant 0 : i32
      %dma_start3A_16 = tpu.memref_slice %arg2[%dma_start3A_14, %dma_start3A_15] : memref<10000x64xf32, #tpu.memory_space<hbm>> -> memref<10000x64xf32, #tpu.memory_space<hbm>>
      tpu.enqueue_indirect_dma source(%dma_start3A_16 : memref<10000x64xf32, #tpu.memory_space<hbm>>) target(%arg11 : memref<128x64xf32, #tpu.memory_space<vmem>>) offsets(%arg6 : memref<128xi32, #tpu.memory_space<vmem>>) semaphore(%arg10 : memref<!tpu.dma_semaphore, #tpu.memory_space<semaphore_mem>>)
      %dma_wait3A = arith.constant 0 : i32
      %dma_wait3A_17 = arith.constant 0 : i32
      %dma_wait3A_18 = tpu.memref_slice %arg2[%dma_wait3A, %dma_wait3A_17] : memref<10000x64xf32, #tpu.memory_space<hbm>> -> memref<10000x64xf32, #tpu.memory_space<hbm>>
      tpu.wait_indirect_dma semaphore(%arg9 : memref<!tpu.dma_semaphore, #tpu.memory_space<semaphore_mem>>) src(%dma_wait3A_18 : memref<10000x64xf32, #tpu.memory_space<hbm>>) dst(%arg12 : memref<128x64xf32, #tpu.memory_space<vmem>>)
      %dma_wait3A_19 = arith.constant 0 : i32
      %dma_wait3A_20 = arith.constant 0 : i32
      %dma_wait3A_21 = tpu.memref_slice %arg2[%dma_wait3A_19, %dma_wait3A_20] : memref<10000x64xf32, #tpu.memory_space<hbm>> -> memref<10000x64xf32, #tpu.memory_space<hbm>>
      tpu.wait_indirect_dma semaphore(%arg10 : memref<!tpu.dma_semaphore, #tpu.memory_space<semaphore_mem>>) src(%dma_wait3A_21 : memref<10000x64xf32, #tpu.memory_space<hbm>>) dst(%arg11 : memref<128x64xf32, #tpu.memory_space<vmem>>)
      %add3A_22 = arith.constant 0 : i32
      %add3A_23 = vector.broadcast %add3A_22 : i32 to vector<16xi32>
      %add3A_24 = arith.addi %add3A_23, %iota3A : vector<16xi32>
      %broadcast_in_dim3A = arith.constant 0.000000e+00 : f32
      %broadcast_in_dim3A_25 = vector.broadcast %broadcast_in_dim3A : f32 to vector<16xf32>
      %scan3A_26 = arith.constant 0 : i32
      %scan3A_27 = arith.constant 64 : i32
      %scan3A_28 = arith.addi %scan3A_26, %scan3A_27 : i32
      %scan3A_29 = arith.constant 1 : i32
      %scan3A_30 = scf.for %scan3A_124 = %scan3A_26 to %scan3A_28 step %scan3A_29 iter_args(%scan3A_125 = %broadcast_in_dim3A_25) -> (vector<16xf32>)  : i32 {
        %add3A_126 = vector.broadcast %scan3A_124 : i32 to vector<16xi32>
        %add3A_127 = arith.addi %add3A_126, %iota3A : vector<16xi32>
        %and3A = arith.constant 63 : i32
        %and3A_128 = vector.broadcast %and3A : i32 to vector<16xi32>
        %and3A_129 = arith.andi %add3A_127, %and3A_128 : vector<16xi32>
        %gather3A = tpu.vector_load_idx %arg12[%add3A_24, %and3A_129] : memref<128x64xf32, #tpu.memory_space<vmem>>[vector<16xi32>, vector<16xi32>], vector<16xf32>,
        %gather3A_130 = tpu.vector_load_idx %arg11[%add3A_24, %and3A_129] : memref<128x64xf32, #tpu.memory_space<vmem>>[vector<16xi32>, vector<16xi32>], vector<16xf32>,
        %mul3A_131 = arith.mulf %gather3A, %gather3A_130 : vector<16xf32>
        %add3A_132 = arith.addf %scan3A_125, %mul3A_131 : vector<16xf32>
        scf.yield %add3A_132 : vector<16xf32>
      }
      %scan3A_31 = arith.constant 64 : i32
      %swap3A = arith.constant 0 : index
      %swap3A_32 = tpu.vector_load %arg8[%swap3A] {strides = array<i32>} : memref<128xf32, #tpu.memory_space<vmem>>, vector<16xf32>,
      tpu.vector_store %arg8[%swap3A], %scan3A_30 {strides = array<i32>} : memref<128xf32, #tpu.memory_space<vmem>>, vector<16xf32>,
      %add3A_33 = arith.constant 16 : i32
      %add3A_34 = vector.broadcast %add3A_33 : i32 to vector<16xi32>
      %add3A_35 = arith.addi %add3A_34, %iota3A : vector<16xi32>
      %broadcast_in_dim3A_36 = arith.constant 0.000000e+00 : f32
      %broadcast_in_dim3A_37 = vector.broadcast %broadcast_in_dim3A_36 : f32 to vector<16xf32>
      %scan3A_38 = arith.constant 0 : i32
      %scan3A_39 = arith.constant 64 : i32
      %scan3A_40 = arith.addi %scan3A_38, %scan3A_39 : i32
      %scan3A_41 = arith.constant 1 : i32
      %scan3A_42 = scf.for %scan3A_124 = %scan3A_38 to %scan3A_40 step %scan3A_41 iter_args(%scan3A_125 = %broadcast_in_dim3A_37) -> (vector<16xf32>)  : i32 {
        %add3A_126 = vector.broadcast %scan3A_124 : i32 to vector<16xi32>
        %add3A_127 = arith.addi %add3A_126, %iota3A : vector<16xi32>
        %and3A = arith.constant 63 : i32
        %and3A_128 = vector.broadcast %and3A : i32 to vector<16xi32>
        %and3A_129 = arith.andi %add3A_127, %and3A_128 : vector<16xi32>
        %gather3A = tpu.vector_load_idx %arg12[%add3A_35, %and3A_129] : memref<128x64xf32, #tpu.memory_space<vmem>>[vector<16xi32>, vector<16xi32>], vector<16xf32>,
        %gather3A_130 = tpu.vector_load_idx %arg11[%add3A_35, %and3A_129] : memref<128x64xf32, #tpu.memory_space<vmem>>[vector<16xi32>, vector<16xi32>], vector<16xf32>,
        %mul3A_131 = arith.mulf %gather3A, %gather3A_130 : vector<16xf32>
        %add3A_132 = arith.addf %scan3A_125, %mul3A_131 : vector<16xf32>
        scf.yield %add3A_132 : vector<16xf32>
      }
      %scan3A_43 = arith.constant 64 : i32
      %swap3A_44 = arith.constant 16 : index
      %swap3A_45 = tpu.vector_load %arg8[%swap3A_44] {strides = array<i32>} : memref<128xf32, #tpu.memory_space<vmem>>, vector<16xf32>,
      tpu.vector_store %arg8[%swap3A_44], %scan3A_42 {strides = array<i32>} : memref<128xf32, #tpu.memory_space<vmem>>, vector<16xf32>,
      %add3A_46 = arith.constant 32 : i32
      %add3A_47 = vector.broadcast %add3A_46 : i32 to vector<16xi32>
      %add3A_48 = arith.addi %add3A_47, %iota3A : vector<16xi32>
      %broadcast_in_dim3A_49 = arith.constant 0.000000e+00 : f32
      %broadcast_in_dim3A_50 = vector.broadcast %broadcast_in_dim3A_49 : f32 to vector<16xf32>
      %scan3A_51 = arith.constant 0 : i32
      %scan3A_52 = arith.constant 64 : i32
      %scan3A_53 = arith.addi %scan3A_51, %scan3A_52 : i32
      %scan3A_54 = arith.constant 1 : i32
      %scan3A_55 = scf.for %scan3A_124 = %scan3A_51 to %scan3A_53 step %scan3A_54 iter_args(%scan3A_125 = %broadcast_in_dim3A_50) -> (vector<16xf32>)  : i32 {
        %add3A_126 = vector.broadcast %scan3A_124 : i32 to vector<16xi32>
        %add3A_127 = arith.addi %add3A_126, %iota3A : vector<16xi32>
        %and3A = arith.constant 63 : i32
        %and3A_128 = vector.broadcast %and3A : i32 to vector<16xi32>
        %and3A_129 = arith.andi %add3A_127, %and3A_128 : vector<16xi32>
        %gather3A = tpu.vector_load_idx %arg12[%add3A_48, %and3A_129] : memref<128x64xf32, #tpu.memory_space<vmem>>[vector<16xi32>, vector<16xi32>], vector<16xf32>,
        %gather3A_130 = tpu.vector_load_idx %arg11[%add3A_48, %and3A_129] : memref<128x64xf32, #tpu.memory_space<vmem>>[vector<16xi32>, vector<16xi32>], vector<16xf32>,
        %mul3A_131 = arith.mulf %gather3A, %gather3A_130 : vector<16xf32>
        %add3A_132 = arith.addf %scan3A_125, %mul3A_131 : vector<16xf32>
        scf.yield %add3A_132 : vector<16xf32>
      }
      %scan3A_56 = arith.constant 64 : i32
      %swap3A_57 = arith.constant 32 : index
      %swap3A_58 = tpu.vector_load %arg8[%swap3A_57] {strides = array<i32>} : memref<128xf32, #tpu.memory_space<vmem>>, vector<16xf32>,
      tpu.vector_store %arg8[%swap3A_57], %scan3A_55 {strides = array<i32>} : memref<128xf32, #tpu.memory_space<vmem>>, vector<16xf32>,
      %add3A_59 = arith.constant 48 : i32
      %add3A_60 = vector.broadcast %add3A_59 : i32 to vector<16xi32>
      %add3A_61 = arith.addi %add3A_60, %iota3A : vector<16xi32>
      %broadcast_in_dim3A_62 = arith.constant 0.000000e+00 : f32
      %broadcast_in_dim3A_63 = vector.broadcast %broadcast_in_dim3A_62 : f32 to vector<16xf32>
      %scan3A_64 = arith.constant 0 : i32
      %scan3A_65 = arith.constant 64 : i32
      %scan3A_66 = arith.addi %scan3A_64, %scan3A_65 : i32
      %scan3A_67 = arith.constant 1 : i32
      %scan3A_68 = scf.for %scan3A_124 = %scan3A_64 to %scan3A_66 step %scan3A_67 iter_args(%scan3A_125 = %broadcast_in_dim3A_63) -> (vector<16xf32>)  : i32 {
        %add3A_126 = vector.broadcast %scan3A_124 : i32 to vector<16xi32>
        %add3A_127 = arith.addi %add3A_126, %iota3A : vector<16xi32>
        %and3A = arith.constant 63 : i32
        %and3A_128 = vector.broadcast %and3A : i32 to vector<16xi32>
        %and3A_129 = arith.andi %add3A_127, %and3A_128 : vector<16xi32>
        %gather3A = tpu.vector_load_idx %arg12[%add3A_61, %and3A_129] : memref<128x64xf32, #tpu.memory_space<vmem>>[vector<16xi32>, vector<16xi32>], vector<16xf32>,
        %gather3A_130 = tpu.vector_load_idx %arg11[%add3A_61, %and3A_129] : memref<128x64xf32, #tpu.memory_space<vmem>>[vector<16xi32>, vector<16xi32>], vector<16xf32>,
        %mul3A_131 = arith.mulf %gather3A, %gather3A_130 : vector<16xf32>
        %add3A_132 = arith.addf %scan3A_125, %mul3A_131 : vector<16xf32>
        scf.yield %add3A_132 : vector<16xf32>
      }
      %scan3A_69 = arith.constant 64 : i32
      %swap3A_70 = arith.constant 48 : index
      %swap3A_71 = tpu.vector_load %arg8[%swap3A_70] {strides = array<i32>} : memref<128xf32, #tpu.memory_space<vmem>>, vector<16xf32>,
      tpu.vector_store %arg8[%swap3A_70], %scan3A_68 {strides = array<i32>} : memref<128xf32, #tpu.memory_space<vmem>>, vector<16xf32>,
      %add3A_72 = arith.constant 64 : i32
      %add3A_73 = vector.broadcast %add3A_72 : i32 to vector<16xi32>
      %add3A_74 = arith.addi %add3A_73, %iota3A : vector<16xi32>
      %broadcast_in_dim3A_75 = arith.constant 0.000000e+00 : f32
      %broadcast_in_dim3A_76 = vector.broadcast %broadcast_in_dim3A_75 : f32 to vector<16xf32>
      %scan3A_77 = arith.constant 0 : i32
      %scan3A_78 = arith.constant 64 : i32
      %scan3A_79 = arith.addi %scan3A_77, %scan3A_78 : i32
      %scan3A_80 = arith.constant 1 : i32
      %scan3A_81 = scf.for %scan3A_124 = %scan3A_77 to %scan3A_79 step %scan3A_80 iter_args(%scan3A_125 = %broadcast_in_dim3A_76) -> (vector<16xf32>)  : i32 {
        %add3A_126 = vector.broadcast %scan3A_124 : i32 to vector<16xi32>
        %add3A_127 = arith.addi %add3A_126, %iota3A : vector<16xi32>
        %and3A = arith.constant 63 : i32
        %and3A_128 = vector.broadcast %and3A : i32 to vector<16xi32>
        %and3A_129 = arith.andi %add3A_127, %and3A_128 : vector<16xi32>
        %gather3A = tpu.vector_load_idx %arg12[%add3A_74, %and3A_129] : memref<128x64xf32, #tpu.memory_space<vmem>>[vector<16xi32>, vector<16xi32>], vector<16xf32>,
        %gather3A_130 = tpu.vector_load_idx %arg11[%add3A_74, %and3A_129] : memref<128x64xf32, #tpu.memory_space<vmem>>[vector<16xi32>, vector<16xi32>], vector<16xf32>,
        %mul3A_131 = arith.mulf %gather3A, %gather3A_130 : vector<16xf32>
        %add3A_132 = arith.addf %scan3A_125, %mul3A_131 : vector<16xf32>
        scf.yield %add3A_132 : vector<16xf32>
      }
      %scan3A_82 = arith.constant 64 : i32
      %swap3A_83 = arith.constant 64 : index
      %swap3A_84 = tpu.vector_load %arg8[%swap3A_83] {strides = array<i32>} : memref<128xf32, #tpu.memory_space<vmem>>, vector<16xf32>,
      tpu.vector_store %arg8[%swap3A_83], %scan3A_81 {strides = array<i32>} : memref<128xf32, #tpu.memory_space<vmem>>, vector<16xf32>,
      %add3A_85 = arith.constant 80 : i32
      %add3A_86 = vector.broadcast %add3A_85 : i32 to vector<16xi32>
      %add3A_87 = arith.addi %add3A_86, %iota3A : vector<16xi32>
      %broadcast_in_dim3A_88 = arith.constant 0.000000e+00 : f32
      %broadcast_in_dim3A_89 = vector.broadcast %broadcast_in_dim3A_88 : f32 to vector<16xf32>
      %scan3A_90 = arith.constant 0 : i32
      %scan3A_91 = arith.constant 64 : i32
      %scan3A_92 = arith.addi %scan3A_90, %scan3A_91 : i32
      %scan3A_93 = arith.constant 1 : i32
      %scan3A_94 = scf.for %scan3A_124 = %scan3A_90 to %scan3A_92 step %scan3A_93 iter_args(%scan3A_125 = %broadcast_in_dim3A_89) -> (vector<16xf32>)  : i32 {
        %add3A_126 = vector.broadcast %scan3A_124 : i32 to vector<16xi32>
        %add3A_127 = arith.addi %add3A_126, %iota3A : vector<16xi32>
        %and3A = arith.constant 63 : i32
        %and3A_128 = vector.broadcast %and3A : i32 to vector<16xi32>
        %and3A_129 = arith.andi %add3A_127, %and3A_128 : vector<16xi32>
        %gather3A = tpu.vector_load_idx %arg12[%add3A_87, %and3A_129] : memref<128x64xf32, #tpu.memory_space<vmem>>[vector<16xi32>, vector<16xi32>], vector<16xf32>,
        %gather3A_130 = tpu.vector_load_idx %arg11[%add3A_87, %and3A_129] : memref<128x64xf32, #tpu.memory_space<vmem>>[vector<16xi32>, vector<16xi32>], vector<16xf32>,
        %mul3A_131 = arith.mulf %gather3A, %gather3A_130 : vector<16xf32>
        %add3A_132 = arith.addf %scan3A_125, %mul3A_131 : vector<16xf32>
        scf.yield %add3A_132 : vector<16xf32>
      }
      %scan3A_95 = arith.constant 64 : i32
      %swap3A_96 = arith.constant 80 : index
      %swap3A_97 = tpu.vector_load %arg8[%swap3A_96] {strides = array<i32>} : memref<128xf32, #tpu.memory_space<vmem>>, vector<16xf32>,
      tpu.vector_store %arg8[%swap3A_96], %scan3A_94 {strides = array<i32>} : memref<128xf32, #tpu.memory_space<vmem>>, vector<16xf32>,
      %add3A_98 = arith.constant 96 : i32
      %add3A_99 = vector.broadcast %add3A_98 : i32 to vector<16xi32>
      %add3A_100 = arith.addi %add3A_99, %iota3A : vector<16xi32>
      %broadcast_in_dim3A_101 = arith.constant 0.000000e+00 : f32
      %broadcast_in_dim3A_102 = vector.broadcast %broadcast_in_dim3A_101 : f32 to vector<16xf32>
      %scan3A_103 = arith.constant 0 : i32
      %scan3A_104 = arith.constant 64 : i32
      %scan3A_105 = arith.addi %scan3A_103, %scan3A_104 : i32
      %scan3A_106 = arith.constant 1 : i32
      %scan3A_107 = scf.for %scan3A_124 = %scan3A_103 to %scan3A_105 step %scan3A_106 iter_args(%scan3A_125 = %broadcast_in_dim3A_102) -> (vector<16xf32>)  : i32 {
        %add3A_126 = vector.broadcast %scan3A_124 : i32 to vector<16xi32>
        %add3A_127 = arith.addi %add3A_126, %iota3A : vector<16xi32>
        %and3A = arith.constant 63 : i32
        %and3A_128 = vector.broadcast %and3A : i32 to vector<16xi32>
        %and3A_129 = arith.andi %add3A_127, %and3A_128 : vector<16xi32>
        %gather3A = tpu.vector_load_idx %arg12[%add3A_100, %and3A_129] : memref<128x64xf32, #tpu.memory_space<vmem>>[vector<16xi32>, vector<16xi32>], vector<16xf32>,
        %gather3A_130 = tpu.vector_load_idx %arg11[%add3A_100, %and3A_129] : memref<128x64xf32, #tpu.memory_space<vmem>>[vector<16xi32>, vector<16xi32>], vector<16xf32>,
        %mul3A_131 = arith.mulf %gather3A, %gather3A_130 : vector<16xf32>
        %add3A_132 = arith.addf %scan3A_125, %mul3A_131 : vector<16xf32>
        scf.yield %add3A_132 : vector<16xf32>
      }
      %scan3A_108 = arith.constant 64 : i32
      %swap3A_109 = arith.constant 96 : index
      %swap3A_110 = tpu.vector_load %arg8[%swap3A_109] {strides = array<i32>} : memref<128xf32, #tpu.memory_space<vmem>>, vector<16xf32>,
      tpu.vector_store %arg8[%swap3A_109], %scan3A_107 {strides = array<i32>} : memref<128xf32, #tpu.memory_space<vmem>>, vector<16xf32>,
      %add3A_111 = arith.constant 112 : i32
      %add3A_112 = vector.broadcast %add3A_111 : i32 to vector<16xi32>
      %add3A_113 = arith.addi %add3A_112, %iota3A : vector<16xi32>
      %broadcast_in_dim3A_114 = arith.constant 0.000000e+00 : f32
      %broadcast_in_dim3A_115 = vector.broadcast %broadcast_in_dim3A_114 : f32 to vector<16xf32>
      %scan3A_116 = arith.constant 0 : i32
      %scan3A_117 = arith.constant 64 : i32
      %scan3A_118 = arith.addi %scan3A_116, %scan3A_117 : i32
      %scan3A_119 = arith.constant 1 : i32
      %scan3A_120 = scf.for %scan3A_124 = %scan3A_116 to %scan3A_118 step %scan3A_119 iter_args(%scan3A_125 = %broadcast_in_dim3A_115) -> (vector<16xf32>)  : i32 {
        %add3A_126 = vector.broadcast %scan3A_124 : i32 to vector<16xi32>
        %add3A_127 = arith.addi %add3A_126, %iota3A : vector<16xi32>
        %and3A = arith.constant 63 : i32
        %and3A_128 = vector.broadcast %and3A : i32 to vector<16xi32>
        %and3A_129 = arith.andi %add3A_127, %and3A_128 : vector<16xi32>
        %gather3A = tpu.vector_load_idx %arg12[%add3A_113, %and3A_129] : memref<128x64xf32, #tpu.memory_space<vmem>>[vector<16xi32>, vector<16xi32>], vector<16xf32>,
        %gather3A_130 = tpu.vector_load_idx %arg11[%add3A_113, %and3A_129] : memref<128x64xf32, #tpu.memory_space<vmem>>[vector<16xi32>, vector<16xi32>], vector<16xf32>,
        %mul3A_131 = arith.mulf %gather3A, %gather3A_130 : vector<16xf32>
        %add3A_132 = arith.addf %scan3A_125, %mul3A_131 : vector<16xf32>
        scf.yield %add3A_132 : vector<16xf32>
      }
      %scan3A_121 = arith.constant 64 : i32
      %swap3A_122 = arith.constant 112 : index
      %swap3A_123 = tpu.vector_load %arg8[%swap3A_122] {strides = array<i32>} : memref<128xf32, #tpu.memory_space<vmem>>, vector<16xf32>,
      tpu.vector_store %arg8[%swap3A_122], %scan3A_120 {strides = array<i32>} : memref<128xf32, #tpu.memory_space<vmem>>, vector<16xf32>,
      "tpu.region"() ({
        %run_scoped3A = tpu.sem_alloc : memref<!tpu.dma_semaphore, #tpu.memory_space<semaphore_mem>>
        %dma_start3A_124 = tpu.memref_slice %arg5[%add3A_11] : memref<200704xf32, #tpu.memory_space<hbm>> -> memref<128xf32, #tpu.memory_space<hbm>>
        %dma_start3A_125 = tpu.memref_slice %arg5[%add3A_11] : memref<200704xf32, #tpu.memory_space<hbm>> -> memref<128xf32, #tpu.memory_space<hbm>>
        tpu.enqueue_dma source(%arg8 : memref<128xf32, #tpu.memory_space<vmem>>) target(%dma_start3A_125 : memref<128xf32, #tpu.memory_space<hbm>>) target_semaphore(%run_scoped3A : memref<!tpu.dma_semaphore, #tpu.memory_space<semaphore_mem>>)
        %dma_wait3A_126 = tpu.memref_slice %arg5[%add3A_11] : memref<200704xf32, #tpu.memory_space<hbm>> -> memref<128xf32, #tpu.memory_space<hbm>>
        %dma_wait3A_127 = tpu.memref_slice %arg5[%add3A_11] : memref<200704xf32, #tpu.memory_space<hbm>> -> memref<128xf32, #tpu.memory_space<hbm>>
        tpu.wait_dma2 semaphore(%run_scoped3A : memref<!tpu.dma_semaphore, #tpu.memory_space<semaphore_mem>>) src(%arg8 : memref<128xf32, #tpu.memory_space<vmem>>) dst(%dma_wait3A_127 : memref<128xf32, #tpu.memory_space<hbm>>)
        tpu.yield
      }) : () -> ()
    }
    %scan3A_7 = arith.constant 49 : i32
    return
  }
}

#map = affine_map<(d0, d1) -> (0, 0)>
#map1 = affine_map<(d0, d1) -> (0)>
module attributes {stable_mosaic.version = 14 : i64} {
  func.func @scatter_kernel(%arg0: i32, %arg1: i32, %arg2: memref<10000x128xf32, #tpu.memory_space<hbm>>, %arg3: memref<320000xi32, #tpu.memory_space<hbm>>, %arg4: memref<320000xi32, #tpu.memory_space<hbm>>, %arg5: memref<20480x128xf32, #tpu.memory_space<hbm>>, %arg6: memref<10240x128xf32, #tpu.memory_space<vmem_shared>>, %arg7: memref<80xi32, #tpu.memory_space<vmem>>, %arg8: memref<80xi32, #tpu.memory_space<vmem>>, %arg9: memref<80x128xf32, #tpu.memory_space<vmem>>, %arg10: memref<!tpu.dma_semaphore, #tpu.memory_space<semaphore_mem>>, %arg11: memref<128x128xf32, #tpu.memory_space<vmem>>) attributes {dimension_semantics = [#tpu.dimension_semantics<core_parallel>, #tpu.dimension_semantics<subcore_parallel>], iteration_bounds = array<i64: 2, 16>, scalar_prefetch = 0 : i64, scratch_operands = 6 : i64, tpu.core_type = #tpu.core_type<sc_vector_subcore>, window_params = [{transform_indices = #map}, {transform_indices = #map1}, {transform_indices = #map1}, {transform_indices = #map}]} {
    %broadcast_in_dim3A = arith.constant 0.000000e+00 : f32
    %broadcast_in_dim3A_0 = vector.broadcast %broadcast_in_dim3A : f32 to vector<16xf32>
    %scan3A = arith.constant 0 : i32
    %scan3A_1 = arith.constant 0 : i32
    %scan3A_2 = arith.constant 128 : i32
    %scan3A_3 = arith.addi %scan3A_1, %scan3A_2 : i32
    %scan3A_4 = arith.constant 1 : i32
    scf.for %scan3A_43 = %scan3A_1 to %scan3A_3 step %scan3A_4  : i32 {
      %scan3A_44 = arith.constant 0 : i32
      %scan3A_45 = arith.constant 8 : i32
      %scan3A_46 = arith.addi %scan3A_44, %scan3A_45 : i32
      %scan3A_47 = arith.constant 1 : i32
      scf.for %scan3A_49 = %scan3A_44 to %scan3A_46 step %scan3A_47  : i32 {
        %mul3A_50 = arith.constant 16 : i32
        %mul3A_51 = arith.muli %scan3A_49, %mul3A_50 : i32
        %swap3A = arith.index_cast %scan3A_43 : i32 to index
        %swap3A_52 = arith.index_cast %mul3A_51 : i32 to index
        %swap3A_53 = tpu.vector_load %arg11[%swap3A, %swap3A_52] {strides = array<i32>} : memref<128x128xf32, #tpu.memory_space<vmem>>, vector<16xf32>,
        tpu.vector_store %arg11[%swap3A, %swap3A_52], %broadcast_in_dim3A_0 {strides = array<i32>} : memref<128x128xf32, #tpu.memory_space<vmem>>, vector<16xf32>,
      }
      %scan3A_48 = arith.constant 8 : i32
    }
    %scan3A_5 = arith.constant 128 : i32
    %mul3A = arith.constant 640 : i32
    %mul3A_6 = arith.muli %arg1, %mul3A : i32
    %add3A = arith.constant 0 : i32
    %add3A_7 = arith.addi %mul3A_6, %add3A : i32
    "tpu.region"() ({
      %run_scoped3A = tpu.sem_alloc : memref<!tpu.dma_semaphore, #tpu.memory_space<semaphore_mem>>
      %dma_start3A = arith.constant 0 : i32
      %dma_start3A_43 = tpu.memref_slice %arg6[%add3A_7, %dma_start3A] : memref<10240x128xf32, #tpu.memory_space<vmem_shared>> -> memref<128x128xf32, #tpu.memory_space<vmem_shared>>
      %dma_start3A_44 = arith.constant 0 : i32
      %dma_start3A_45 = tpu.memref_slice %arg6[%add3A_7, %dma_start3A_44] : memref<10240x128xf32, #tpu.memory_space<vmem_shared>> -> memref<128x128xf32, #tpu.memory_space<vmem_shared>>
      tpu.enqueue_dma source(%arg11 : memref<128x128xf32, #tpu.memory_space<vmem>>) target(%dma_start3A_45 : memref<128x128xf32, #tpu.memory_space<vmem_shared>>) target_semaphore(%run_scoped3A : memref<!tpu.dma_semaphore, #tpu.memory_space<semaphore_mem>>)
      %dma_wait3A = arith.constant 0 : i32
      %dma_wait3A_46 = tpu.memref_slice %arg6[%add3A_7, %dma_wait3A] : memref<10240x128xf32, #tpu.memory_space<vmem_shared>> -> memref<128x128xf32, #tpu.memory_space<vmem_shared>>
      %dma_wait3A_47 = arith.constant 0 : i32
      %dma_wait3A_48 = tpu.memref_slice %arg6[%add3A_7, %dma_wait3A_47] : memref<10240x128xf32, #tpu.memory_space<vmem_shared>> -> memref<128x128xf32, #tpu.memory_space<vmem_shared>>
      tpu.wait_dma2 semaphore(%run_scoped3A : memref<!tpu.dma_semaphore, #tpu.memory_space<semaphore_mem>>) src(%arg11 : memref<128x128xf32, #tpu.memory_space<vmem>>) dst(%dma_wait3A_48 : memref<128x128xf32, #tpu.memory_space<vmem_shared>>)
      tpu.yield
    }) : () -> ()
    %mul3A_8 = arith.constant 640 : i32
    %mul3A_9 = arith.muli %arg1, %mul3A_8 : i32
    %add3A_10 = arith.constant 128 : i32
    %add3A_11 = arith.addi %mul3A_9, %add3A_10 : i32
    "tpu.region"() ({
      %run_scoped3A = tpu.sem_alloc : memref<!tpu.dma_semaphore, #tpu.memory_space<semaphore_mem>>
      %dma_start3A = arith.constant 0 : i32
      %dma_start3A_43 = tpu.memref_slice %arg6[%add3A_11, %dma_start3A] : memref<10240x128xf32, #tpu.memory_space<vmem_shared>> -> memref<128x128xf32, #tpu.memory_space<vmem_shared>>
      %dma_start3A_44 = arith.constant 0 : i32
      %dma_start3A_45 = tpu.memref_slice %arg6[%add3A_11, %dma_start3A_44] : memref<10240x128xf32, #tpu.memory_space<vmem_shared>> -> memref<128x128xf32, #tpu.memory_space<vmem_shared>>
      tpu.enqueue_dma source(%arg11 : memref<128x128xf32, #tpu.memory_space<vmem>>) target(%dma_start3A_45 : memref<128x128xf32, #tpu.memory_space<vmem_shared>>) target_semaphore(%run_scoped3A : memref<!tpu.dma_semaphore, #tpu.memory_space<semaphore_mem>>)
      %dma_wait3A = arith.constant 0 : i32
      %dma_wait3A_46 = tpu.memref_slice %arg6[%add3A_11, %dma_wait3A] : memref<10240x128xf32, #tpu.memory_space<vmem_shared>> -> memref<128x128xf32, #tpu.memory_space<vmem_shared>>
      %dma_wait3A_47 = arith.constant 0 : i32
      %dma_wait3A_48 = tpu.memref_slice %arg6[%add3A_11, %dma_wait3A_47] : memref<10240x128xf32, #tpu.memory_space<vmem_shared>> -> memref<128x128xf32, #tpu.memory_space<vmem_shared>>
      tpu.wait_dma2 semaphore(%run_scoped3A : memref<!tpu.dma_semaphore, #tpu.memory_space<semaphore_mem>>) src(%arg11 : memref<128x128xf32, #tpu.memory_space<vmem>>) dst(%dma_wait3A_48 : memref<128x128xf32, #tpu.memory_space<vmem_shared>>)
      tpu.yield
    }) : () -> ()
    %mul3A_12 = arith.constant 640 : i32
    %mul3A_13 = arith.muli %arg1, %mul3A_12 : i32
    %add3A_14 = arith.constant 256 : i32
    %add3A_15 = arith.addi %mul3A_13, %add3A_14 : i32
    "tpu.region"() ({
      %run_scoped3A = tpu.sem_alloc : memref<!tpu.dma_semaphore, #tpu.memory_space<semaphore_mem>>
      %dma_start3A = arith.constant 0 : i32
      %dma_start3A_43 = tpu.memref_slice %arg6[%add3A_15, %dma_start3A] : memref<10240x128xf32, #tpu.memory_space<vmem_shared>> -> memref<128x128xf32, #tpu.memory_space<vmem_shared>>
      %dma_start3A_44 = arith.constant 0 : i32
      %dma_start3A_45 = tpu.memref_slice %arg6[%add3A_15, %dma_start3A_44] : memref<10240x128xf32, #tpu.memory_space<vmem_shared>> -> memref<128x128xf32, #tpu.memory_space<vmem_shared>>
      tpu.enqueue_dma source(%arg11 : memref<128x128xf32, #tpu.memory_space<vmem>>) target(%dma_start3A_45 : memref<128x128xf32, #tpu.memory_space<vmem_shared>>) target_semaphore(%run_scoped3A : memref<!tpu.dma_semaphore, #tpu.memory_space<semaphore_mem>>)
      %dma_wait3A = arith.constant 0 : i32
      %dma_wait3A_46 = tpu.memref_slice %arg6[%add3A_15, %dma_wait3A] : memref<10240x128xf32, #tpu.memory_space<vmem_shared>> -> memref<128x128xf32, #tpu.memory_space<vmem_shared>>
      %dma_wait3A_47 = arith.constant 0 : i32
      %dma_wait3A_48 = tpu.memref_slice %arg6[%add3A_15, %dma_wait3A_47] : memref<10240x128xf32, #tpu.memory_space<vmem_shared>> -> memref<128x128xf32, #tpu.memory_space<vmem_shared>>
      tpu.wait_dma2 semaphore(%run_scoped3A : memref<!tpu.dma_semaphore, #tpu.memory_space<semaphore_mem>>) src(%arg11 : memref<128x128xf32, #tpu.memory_space<vmem>>) dst(%dma_wait3A_48 : memref<128x128xf32, #tpu.memory_space<vmem_shared>>)
      tpu.yield
    }) : () -> ()
    %mul3A_16 = arith.constant 640 : i32
    %mul3A_17 = arith.muli %arg1, %mul3A_16 : i32
    %add3A_18 = arith.constant 384 : i32
    %add3A_19 = arith.addi %mul3A_17, %add3A_18 : i32
    "tpu.region"() ({
      %run_scoped3A = tpu.sem_alloc : memref<!tpu.dma_semaphore, #tpu.memory_space<semaphore_mem>>
      %dma_start3A = arith.constant 0 : i32
      %dma_start3A_43 = tpu.memref_slice %arg6[%add3A_19, %dma_start3A] : memref<10240x128xf32, #tpu.memory_space<vmem_shared>> -> memref<128x128xf32, #tpu.memory_space<vmem_shared>>
      %dma_start3A_44 = arith.constant 0 : i32
      %dma_start3A_45 = tpu.memref_slice %arg6[%add3A_19, %dma_start3A_44] : memref<10240x128xf32, #tpu.memory_space<vmem_shared>> -> memref<128x128xf32, #tpu.memory_space<vmem_shared>>
      tpu.enqueue_dma source(%arg11 : memref<128x128xf32, #tpu.memory_space<vmem>>) target(%dma_start3A_45 : memref<128x128xf32, #tpu.memory_space<vmem_shared>>) target_semaphore(%run_scoped3A : memref<!tpu.dma_semaphore, #tpu.memory_space<semaphore_mem>>)
      %dma_wait3A = arith.constant 0 : i32
      %dma_wait3A_46 = tpu.memref_slice %arg6[%add3A_19, %dma_wait3A] : memref<10240x128xf32, #tpu.memory_space<vmem_shared>> -> memref<128x128xf32, #tpu.memory_space<vmem_shared>>
      %dma_wait3A_47 = arith.constant 0 : i32
      %dma_wait3A_48 = tpu.memref_slice %arg6[%add3A_19, %dma_wait3A_47] : memref<10240x128xf32, #tpu.memory_space<vmem_shared>> -> memref<128x128xf32, #tpu.memory_space<vmem_shared>>
      tpu.wait_dma2 semaphore(%run_scoped3A : memref<!tpu.dma_semaphore, #tpu.memory_space<semaphore_mem>>) src(%arg11 : memref<128x128xf32, #tpu.memory_space<vmem>>) dst(%dma_wait3A_48 : memref<128x128xf32, #tpu.memory_space<vmem_shared>>)
      tpu.yield
    }) : () -> ()
    %mul3A_20 = arith.constant 640 : i32
    %mul3A_21 = arith.muli %arg1, %mul3A_20 : i32
    %add3A_22 = arith.constant 512 : i32
    %add3A_23 = arith.addi %mul3A_21, %add3A_22 : i32
    "tpu.region"() ({
      %run_scoped3A = tpu.sem_alloc : memref<!tpu.dma_semaphore, #tpu.memory_space<semaphore_mem>>
      %dma_start3A = arith.constant 0 : i32
      %dma_start3A_43 = tpu.memref_slice %arg6[%add3A_23, %dma_start3A] : memref<10240x128xf32, #tpu.memory_space<vmem_shared>> -> memref<128x128xf32, #tpu.memory_space<vmem_shared>>
      %dma_start3A_44 = arith.constant 0 : i32
      %dma_start3A_45 = tpu.memref_slice %arg6[%add3A_23, %dma_start3A_44] : memref<10240x128xf32, #tpu.memory_space<vmem_shared>> -> memref<128x128xf32, #tpu.memory_space<vmem_shared>>
      tpu.enqueue_dma source(%arg11 : memref<128x128xf32, #tpu.memory_space<vmem>>) target(%dma_start3A_45 : memref<128x128xf32, #tpu.memory_space<vmem_shared>>) target_semaphore(%run_scoped3A : memref<!tpu.dma_semaphore, #tpu.memory_space<semaphore_mem>>)
      %dma_wait3A = arith.constant 0 : i32
      %dma_wait3A_46 = tpu.memref_slice %arg6[%add3A_23, %dma_wait3A] : memref<10240x128xf32, #tpu.memory_space<vmem_shared>> -> memref<128x128xf32, #tpu.memory_space<vmem_shared>>
      %dma_wait3A_47 = arith.constant 0 : i32
      %dma_wait3A_48 = tpu.memref_slice %arg6[%add3A_23, %dma_wait3A_47] : memref<10240x128xf32, #tpu.memory_space<vmem_shared>> -> memref<128x128xf32, #tpu.memory_space<vmem_shared>>
      tpu.wait_dma2 semaphore(%run_scoped3A : memref<!tpu.dma_semaphore, #tpu.memory_space<semaphore_mem>>) src(%arg11 : memref<128x128xf32, #tpu.memory_space<vmem>>) dst(%dma_wait3A_48 : memref<128x128xf32, #tpu.memory_space<vmem_shared>>)
      tpu.yield
    }) : () -> ()
    %barrier3A = arith.constant 0 : index
    tpu.barrier barrier_id(%barrier3A)
    %mul3A_24 = arith.constant 16 : i32
    %mul3A_25 = arith.muli %arg0, %mul3A_24 : i32
    %add3A_26 = arith.addi %mul3A_25, %arg1 : i32
    %mul3A_27 = arith.constant 10000 : i32
    %mul3A_28 = arith.muli %add3A_26, %mul3A_27 : i32
    %scan3A_29 = arith.constant 0 : i32
    %scan3A_30 = arith.constant 0 : i32
    %scan3A_31 = arith.constant 125 : i32
    %scan3A_32 = arith.addi %scan3A_30, %scan3A_31 : i32
    %scan3A_33 = arith.constant 1 : i32
    scf.for %scan3A_43 = %scan3A_30 to %scan3A_32 step %scan3A_33  : i32 {
      %mul3A_44 = arith.constant 80 : i32
      %mul3A_45 = arith.muli %scan3A_43, %mul3A_44 : i32
      %add3A_46 = arith.addi %mul3A_28, %mul3A_45 : i32
      "tpu.region"() ({
        %run_scoped3A = tpu.sem_alloc : memref<!tpu.dma_semaphore, #tpu.memory_space<semaphore_mem>>
        %dma_start3A_54 = tpu.memref_slice %arg3[%add3A_46] : memref<320000xi32, #tpu.memory_space<hbm>> -> memref<80xi32, #tpu.memory_space<hbm>>
        %dma_start3A_55 = tpu.memref_slice %arg3[%add3A_46] : memref<320000xi32, #tpu.memory_space<hbm>> -> memref<80xi32, #tpu.memory_space<hbm>>
        tpu.enqueue_dma source(%dma_start3A_55 : memref<80xi32, #tpu.memory_space<hbm>>) target(%arg8 : memref<80xi32, #tpu.memory_space<vmem>>) target_semaphore(%run_scoped3A : memref<!tpu.dma_semaphore, #tpu.memory_space<semaphore_mem>>)
        %dma_wait3A_56 = tpu.memref_slice %arg3[%add3A_46] : memref<320000xi32, #tpu.memory_space<hbm>> -> memref<80xi32, #tpu.memory_space<hbm>>
        %dma_wait3A_57 = tpu.memref_slice %arg3[%add3A_46] : memref<320000xi32, #tpu.memory_space<hbm>> -> memref<80xi32, #tpu.memory_space<hbm>>
        tpu.wait_dma2 semaphore(%run_scoped3A : memref<!tpu.dma_semaphore, #tpu.memory_space<semaphore_mem>>) src(%dma_wait3A_57 : memref<80xi32, #tpu.memory_space<hbm>>) dst(%arg8 : memref<80xi32, #tpu.memory_space<vmem>>)
        tpu.yield
      }) : () -> ()
      %mul3A_47 = arith.constant 80 : i32
      %mul3A_48 = arith.muli %scan3A_43, %mul3A_47 : i32
      %add3A_49 = arith.addi %mul3A_28, %mul3A_48 : i32
      "tpu.region"() ({
        %run_scoped3A = tpu.sem_alloc : memref<!tpu.dma_semaphore, #tpu.memory_space<semaphore_mem>>
        %dma_start3A_54 = tpu.memref_slice %arg4[%add3A_49] : memref<320000xi32, #tpu.memory_space<hbm>> -> memref<80xi32, #tpu.memory_space<hbm>>
        %dma_start3A_55 = tpu.memref_slice %arg4[%add3A_49] : memref<320000xi32, #tpu.memory_space<hbm>> -> memref<80xi32, #tpu.memory_space<hbm>>
        tpu.enqueue_dma source(%dma_start3A_55 : memref<80xi32, #tpu.memory_space<hbm>>) target(%arg7 : memref<80xi32, #tpu.memory_space<vmem>>) target_semaphore(%run_scoped3A : memref<!tpu.dma_semaphore, #tpu.memory_space<semaphore_mem>>)
        %dma_wait3A_56 = tpu.memref_slice %arg4[%add3A_49] : memref<320000xi32, #tpu.memory_space<hbm>> -> memref<80xi32, #tpu.memory_space<hbm>>
        %dma_wait3A_57 = tpu.memref_slice %arg4[%add3A_49] : memref<320000xi32, #tpu.memory_space<hbm>> -> memref<80xi32, #tpu.memory_space<hbm>>
        tpu.wait_dma2 semaphore(%run_scoped3A : memref<!tpu.dma_semaphore, #tpu.memory_space<semaphore_mem>>) src(%dma_wait3A_57 : memref<80xi32, #tpu.memory_space<hbm>>) dst(%arg7 : memref<80xi32, #tpu.memory_space<vmem>>)
        tpu.yield
      }) : () -> ()
      %dma_start3A = arith.constant 0 : i32
      %dma_start3A_50 = arith.constant 0 : i32
      %dma_start3A_51 = tpu.memref_slice %arg2[%dma_start3A, %dma_start3A_50] : memref<10000x128xf32, #tpu.memory_space<hbm>> -> memref<10000x128xf32, #tpu.memory_space<hbm>>
      tpu.enqueue_indirect_dma source(%dma_start3A_51 : memref<10000x128xf32, #tpu.memory_space<hbm>>) target(%arg9 : memref<80x128xf32, #tpu.memory_space<vmem>>) offsets(%arg8 : memref<80xi32, #tpu.memory_space<vmem>>) semaphore(%arg10 : memref<!tpu.dma_semaphore, #tpu.memory_space<semaphore_mem>>)
      %dma_wait3A = arith.constant 0 : i32
      %dma_wait3A_52 = arith.constant 0 : i32
      %dma_wait3A_53 = tpu.memref_slice %arg2[%dma_wait3A, %dma_wait3A_52] : memref<10000x128xf32, #tpu.memory_space<hbm>> -> memref<10000x128xf32, #tpu.memory_space<hbm>>
      tpu.wait_indirect_dma semaphore(%arg10 : memref<!tpu.dma_semaphore, #tpu.memory_space<semaphore_mem>>) src(%dma_wait3A_53 : memref<10000x128xf32, #tpu.memory_space<hbm>>) dst(%arg9 : memref<80x128xf32, #tpu.memory_space<vmem>>)
      "tpu.region"() ({
        %run_scoped3A = tpu.sem_alloc : memref<!tpu.dma_semaphore, #tpu.memory_space<semaphore_mem>>
        %dma_start3A_54 = arith.constant 0 : i32
        %dma_start3A_55 = arith.constant 0 : i32
        %dma_start3A_56 = tpu.memref_slice %arg6[%dma_start3A_54, %dma_start3A_55] : memref<10240x128xf32, #tpu.memory_space<vmem_shared>> -> memref<10240x128xf32, #tpu.memory_space<vmem_shared>>
        tpu.enqueue_indirect_dma source(%arg9 : memref<80x128xf32, #tpu.memory_space<vmem>>) target(%dma_start3A_56 : memref<10240x128xf32, #tpu.memory_space<vmem_shared>>) offsets(%arg7 : memref<80xi32, #tpu.memory_space<vmem>>) semaphore(%run_scoped3A : memref<!tpu.dma_semaphore, #tpu.memory_space<semaphore_mem>>) {add = true}
        %dma_wait3A_57 = arith.constant 0 : i32
        %dma_wait3A_58 = arith.constant 0 : i32
        %dma_wait3A_59 = tpu.memref_slice %arg6[%dma_wait3A_57, %dma_wait3A_58] : memref<10240x128xf32, #tpu.memory_space<vmem_shared>> -> memref<10240x128xf32, #tpu.memory_space<vmem_shared>>
        tpu.wait_indirect_dma semaphore(%run_scoped3A : memref<!tpu.dma_semaphore, #tpu.memory_space<semaphore_mem>>) src(%arg9 : memref<80x128xf32, #tpu.memory_space<vmem>>) dst(%dma_wait3A_59 : memref<10240x128xf32, #tpu.memory_space<vmem_shared>>)
        tpu.yield
      }) : () -> ()
    }
    %scan3A_34 = arith.constant 125 : i32
    %barrier3A_35 = arith.constant 0 : index
    tpu.barrier barrier_id(%barrier3A_35)
    %mul3A_36 = arith.constant 640 : i32
    %mul3A_37 = arith.muli %arg1, %mul3A_36 : i32
    %mul3A_38 = arith.constant 10240 : i32
    %mul3A_39 = arith.muli %arg0, %mul3A_38 : i32
    %mul3A_40 = arith.constant 640 : i32
    %mul3A_41 = arith.muli %arg1, %mul3A_40 : i32
    %add3A_42 = arith.addi %mul3A_39, %mul3A_41 : i32
    "tpu.region"() ({
      %run_scoped3A = tpu.sem_alloc : memref<!tpu.dma_semaphore, #tpu.memory_space<semaphore_mem>>
      %dma_start3A = arith.constant 0 : i32
      %dma_start3A_43 = tpu.memref_slice %arg5[%add3A_42, %dma_start3A] : memref<20480x128xf32, #tpu.memory_space<hbm>> -> memref<640x128xf32, #tpu.memory_space<hbm>>
      %dma_start3A_44 = arith.constant 0 : i32
      %dma_start3A_45 = tpu.memref_slice %arg6[%mul3A_37, %dma_start3A_44] : memref<10240x128xf32, #tpu.memory_space<vmem_shared>> -> memref<640x128xf32, #tpu.memory_space<vmem_shared>>
      tpu.enqueue_dma source(%dma_start3A_45 : memref<640x128xf32, #tpu.memory_space<vmem_shared>>) target(%dma_start3A_43 : memref<640x128xf32, #tpu.memory_space<hbm>>) target_semaphore(%run_scoped3A : memref<!tpu.dma_semaphore, #tpu.memory_space<semaphore_mem>>)
      %dma_wait3A = arith.constant 0 : i32
      %dma_wait3A_46 = tpu.memref_slice %arg5[%add3A_42, %dma_wait3A] : memref<20480x128xf32, #tpu.memory_space<hbm>> -> memref<640x128xf32, #tpu.memory_space<hbm>>
      %dma_wait3A_47 = arith.constant 0 : i32
      %dma_wait3A_48 = tpu.memref_slice %arg6[%mul3A_37, %dma_wait3A_47] : memref<10240x128xf32, #tpu.memory_space<vmem_shared>> -> memref<640x128xf32, #tpu.memory_space<vmem_shared>>
      tpu.wait_dma2 semaphore(%run_scoped3A : memref<!tpu.dma_semaphore, #tpu.memory_space<semaphore_mem>>) src(%dma_wait3A_48 : memref<640x128xf32, #tpu.memory_space<vmem_shared>>) dst(%dma_wait3A_46 : memref<640x128xf32, #tpu.memory_space<hbm>>)
      tpu.yield
    }) : () -> ()
    return
  }
}

module attributes {stable_mosaic.version = 14 : i64} {
  func.func @_tc1_body(%arg0: i32, %arg1: memref<1000x128xf32, #tpu.memory_space<vmem>>, %arg2: memref<128x128xf32, #tpu.memory_space<vmem>>, %arg3: memref<1000x1xf32, #tpu.memory_space<vmem>>, %arg4: memref<1000x1xf32, #tpu.memory_space<vmem>>, %arg5: memref<1000x128xf32, #tpu.memory_space<vmem>>, %arg6: memref<1000x1xf32, #tpu.memory_space<vmem>>) attributes {dimension_semantics = [#tpu.dimension_semantics<arbitrary>], iteration_bounds = array<i64: 10>, scalar_prefetch = 0 : i64, scratch_operands = 0 : i64, tpu.core_type = #tpu.core_type<tc>, window_params = [{transform_indices = @transform_0, window_bounds = array<i64: 1000, 128>}, {pipeline_mode = #tpu.pipeline_mode<synchronous>, transform_indices = @transform_1, window_bounds = array<i64: 128, 128>}, {transform_indices = @transform_2, window_bounds = array<i64: 1000, 1>}, {transform_indices = @transform_3, window_bounds = array<i64: 1000, 1>}, {transform_indices = @transform_4, window_bounds = array<i64: 1000, 128>}, {transform_indices = @transform_5, window_bounds = array<i64: 1000, 1>}]} {
    %get3A = arith.constant 0 : index
    %get3A_0 = arith.constant 0 : index
    %get3A_1 = vector.load %arg3[%get3A, %get3A_0] : memref<1000x1xf32, #tpu.memory_space<vmem>>, vector<1000x1xf32>
    %get3A_2 = arith.constant 0 : index
    %get3A_3 = arith.constant 0 : index
    %get3A_4 = vector.load %arg4[%get3A_2, %get3A_3] : memref<1000x1xf32, #tpu.memory_space<vmem>>, vector<1000x1xf32>
    %add3A = arith.addf %get3A_1, %get3A_4 : vector<1000x1xf32>
    %add3A_5 = arith.constant 1.000000e+00 : f32
    %add3A_6 = vector.broadcast %add3A_5 : f32 to vector<1000x1xf32>
    %add3A_7 = arith.addf %add3A, %add3A_6 : vector<1000x1xf32>
    %rsqrt3A = math.rsqrt %add3A_7 : vector<1000x1xf32>
    %swap3A = arith.constant 0 : index
    %swap3A_8 = arith.constant 0 : index
    %swap3A_9 = vector.load %arg6[%swap3A, %swap3A_8] : memref<1000x1xf32, #tpu.memory_space<vmem>>, vector<1000x1xf32>
    tpu.vector_store %arg6[%swap3A, %swap3A_8], %rsqrt3A {strides = array<i32>} : memref<1000x1xf32, #tpu.memory_space<vmem>>, vector<1000x1xf32>,
    %get3A_10 = arith.constant 0 : index
    %get3A_11 = arith.constant 0 : index
    %get3A_12 = vector.load %arg1[%get3A_10, %get3A_11] : memref<1000x128xf32, #tpu.memory_space<vmem>>, vector<1000x128xf32>
    %get3A_13 = arith.constant 0 : index
    %get3A_14 = arith.constant 0 : index
    %get3A_15 = vector.load %arg2[%get3A_13, %get3A_14] : memref<128x128xf32, #tpu.memory_space<vmem>>, vector<128x128xf32>
    %dot_general3A = arith.constant dense<0.000000e+00> : vector<1000x128xf32>
    %dot_general3A_16 = tpu.matmul %get3A_12, %get3A_15, %dot_general3A {dimension_numbers = #tpu.dot_dimension_numbers<[1], [0], [0], [1], [0, 0, 1, 1], [], []>, transpose_lhs_hint = false} : vector<1000x128xf32>, vector<128x128xf32>, vector<1000x128xf32> -> vector<1000x128xf32>
    %mul3A = vector.broadcast %rsqrt3A : vector<1000x1xf32> to vector<1000x128xf32>
    %mul3A_17 = arith.mulf %dot_general3A_16, %mul3A : vector<1000x128xf32>
    %swap3A_18 = arith.constant 0 : index
    %swap3A_19 = arith.constant 0 : index
    %swap3A_20 = vector.load %arg5[%swap3A_18, %swap3A_19] : memref<1000x128xf32, #tpu.memory_space<vmem>>, vector<1000x128xf32>
    tpu.vector_store %arg5[%swap3A_18, %swap3A_19], %mul3A_17 {strides = array<i32>} : memref<1000x128xf32, #tpu.memory_space<vmem>>, vector<1000x128xf32>,
    return
  }
  func.func @transform_0(%arg0: i32) -> (i32, i32) {
    %c0_i32 = arith.constant 0 : i32
    %c0_i32_0 = arith.constant 0 : i32
    return %arg0, %c0_i32 : i32, i32
  }
  func.func @transform_1(%arg0: i32) -> (i32, i32) {
    %c0_i32 = arith.constant 0 : i32
    %c0_i32_0 = arith.constant 0 : i32
    %c0_i32_1 = arith.constant 0 : i32
    return %c0_i32, %c0_i32_0 : i32, i32
  }
  func.func @transform_2(%arg0: i32) -> (i32, i32) {
    %c0_i32 = arith.constant 0 : i32
    %c0_i32_0 = arith.constant 0 : i32
    return %arg0, %c0_i32 : i32, i32
  }
  func.func @transform_3(%arg0: i32) -> (i32, i32) {
    %c0_i32 = arith.constant 0 : i32
    %c0_i32_0 = arith.constant 0 : i32
    return %arg0, %c0_i32 : i32, i32
  }
  func.func @transform_4(%arg0: i32) -> (i32, i32) {
    %c0_i32 = arith.constant 0 : i32
    %c0_i32_0 = arith.constant 0 : i32
    return %arg0, %c0_i32 : i32, i32
  }
  func.func @transform_5(%arg0: i32) -> (i32, i32) {
    %c0_i32 = arith.constant 0 : i32
    %c0_i32_0 = arith.constant 0 : i32
    return %arg0, %c0_i32 : i32, i32
  }
}

module attributes {stable_mosaic.version = 14 : i64} {
  func.func @_tc2_body(%arg0: i32, %arg1: memref<1000x128xf32, #tpu.memory_space<vmem>>, %arg2: memref<1000x128xf32, #tpu.memory_space<vmem>>, %arg3: memref<1000x128xf32, #tpu.memory_space<vmem>>, %arg4: memref<1000x1xf32, #tpu.memory_space<vmem>>, %arg5: memref<1x128xf32, #tpu.memory_space<vmem>>, %arg6: memref<128x64xf32, #tpu.memory_space<vmem>>, %arg7: memref<1000x64xf32, #tpu.memory_space<vmem>>) attributes {dimension_semantics = [#tpu.dimension_semantics<arbitrary>], iteration_bounds = array<i64: 10>, scalar_prefetch = 0 : i64, scratch_operands = 0 : i64, tpu.core_type = #tpu.core_type<tc>, window_params = [{transform_indices = @transform_0, window_bounds = array<i64: 1000, 128>}, {transform_indices = @transform_1, window_bounds = array<i64: 1000, 128>}, {transform_indices = @transform_2, window_bounds = array<i64: 1000, 128>}, {transform_indices = @transform_3, window_bounds = array<i64: 1000, 1>}, {pipeline_mode = #tpu.pipeline_mode<synchronous>, transform_indices = @transform_4, window_bounds = array<i64: 1, 128>}, {pipeline_mode = #tpu.pipeline_mode<synchronous>, transform_indices = @transform_5, window_bounds = array<i64: 128, 64>}, {transform_indices = @transform_6, window_bounds = array<i64: 1000, 64>}]} {
    %get3A = arith.constant 0 : index
    %get3A_0 = arith.constant 0 : index
    %get3A_1 = vector.load %arg4[%get3A, %get3A_0] : memref<1000x1xf32, #tpu.memory_space<vmem>>, vector<1000x1xf32>
    %get3A_2 = arith.constant 0 : index
    %get3A_3 = arith.constant 0 : index
    %get3A_4 = vector.load %arg1[%get3A_2, %get3A_3] : memref<1000x128xf32, #tpu.memory_space<vmem>>, vector<1000x128xf32>
    %get3A_5 = arith.constant 0 : index
    %get3A_6 = arith.constant 0 : index
    %get3A_7 = vector.load %arg2[%get3A_5, %get3A_6] : memref<1000x128xf32, #tpu.memory_space<vmem>>, vector<1000x128xf32>
    %add3A = arith.addf %get3A_4, %get3A_7 : vector<1000x128xf32>
    %get3A_8 = arith.constant 0 : index
    %get3A_9 = arith.constant 0 : index
    %get3A_10 = vector.load %arg3[%get3A_8, %get3A_9] : memref<1000x128xf32, #tpu.memory_space<vmem>>, vector<1000x128xf32>
    %add3A_11 = arith.addf %add3A, %get3A_10 : vector<1000x128xf32>
    %mul3A = vector.broadcast %get3A_1 : vector<1000x1xf32> to vector<1000x128xf32>
    %mul3A_12 = arith.mulf %add3A_11, %mul3A : vector<1000x128xf32>
    %get3A_13 = arith.constant 0 : index
    %get3A_14 = arith.constant 0 : index
    %get3A_15 = vector.load %arg5[%get3A_13, %get3A_14] : memref<1x128xf32, #tpu.memory_space<vmem>>, vector<1x128xf32>
    %add3A_16 = vector.broadcast %get3A_15 : vector<1x128xf32> to vector<1000x128xf32>
    %add3A_17 = arith.addf %mul3A_12, %add3A_16 : vector<1000x128xf32>
    %max3A = arith.constant 0.000000e+00 : f32
    %max3A_18 = vector.broadcast %max3A : f32 to vector<1000x128xf32>
    %max3A_19 = arith.maximumf %add3A_17, %max3A_18 : vector<1000x128xf32>
    %get3A_20 = arith.constant 0 : index
    %get3A_21 = arith.constant 0 : index
    %get3A_22 = vector.load %arg6[%get3A_20, %get3A_21] : memref<128x64xf32, #tpu.memory_space<vmem>>, vector<128x64xf32>
    %dot_general3A = arith.constant dense<0.000000e+00> : vector<1000x64xf32>
    %dot_general3A_23 = tpu.matmul %max3A_19, %get3A_22, %dot_general3A {dimension_numbers = #tpu.dot_dimension_numbers<[1], [0], [0], [1], [0, 0, 1, 1], [], []>, transpose_lhs_hint = false} : vector<1000x128xf32>, vector<128x64xf32>, vector<1000x64xf32> -> vector<1000x64xf32>
    %mul3A_24 = vector.broadcast %get3A_1 : vector<1000x1xf32> to vector<1000x64xf32>
    %mul3A_25 = arith.mulf %dot_general3A_23, %mul3A_24 : vector<1000x64xf32>
    %swap3A = arith.constant 0 : index
    %swap3A_26 = arith.constant 0 : index
    %swap3A_27 = vector.load %arg7[%swap3A, %swap3A_26] : memref<1000x64xf32, #tpu.memory_space<vmem>>, vector<1000x64xf32>
    tpu.vector_store %arg7[%swap3A, %swap3A_26], %mul3A_25 {strides = array<i32>} : memref<1000x64xf32, #tpu.memory_space<vmem>>, vector<1000x64xf32>,
    return
  }
  func.func @transform_0(%arg0: i32) -> (i32, i32) {
    %c0_i32 = arith.constant 0 : i32
    %c0_i32_0 = arith.constant 0 : i32
    return %arg0, %c0_i32 : i32, i32
  }
  func.func @transform_1(%arg0: i32) -> (i32, i32) {
    %c0_i32 = arith.constant 0 : i32
    %c0_i32_0 = arith.constant 0 : i32
    return %arg0, %c0_i32 : i32, i32
  }
  func.func @transform_2(%arg0: i32) -> (i32, i32) {
    %c0_i32 = arith.constant 0 : i32
    %c0_i32_0 = arith.constant 0 : i32
    return %arg0, %c0_i32 : i32, i32
  }
  func.func @transform_3(%arg0: i32) -> (i32, i32) {
    %c0_i32 = arith.constant 0 : i32
    %c0_i32_0 = arith.constant 0 : i32
    return %arg0, %c0_i32 : i32, i32
  }
  func.func @transform_4(%arg0: i32) -> (i32, i32) {
    %c0_i32 = arith.constant 0 : i32
    %c0_i32_0 = arith.constant 0 : i32
    %c0_i32_1 = arith.constant 0 : i32
    return %c0_i32, %c0_i32_0 : i32, i32
  }
  func.func @transform_5(%arg0: i32) -> (i32, i32) {
    %c0_i32 = arith.constant 0 : i32
    %c0_i32_0 = arith.constant 0 : i32
    %c0_i32_1 = arith.constant 0 : i32
    return %c0_i32, %c0_i32_0 : i32, i32
  }
  func.func @transform_6(%arg0: i32) -> (i32, i32) {
    %c0_i32 = arith.constant 0 : i32
    %c0_i32_0 = arith.constant 0 : i32
    return %arg0, %c0_i32 : i32, i32
  }
}

module attributes {stable_mosaic.version = 14 : i64} {
  func.func @_tc3_body(%arg0: i32, %arg1: memref<1000x64xf32, #tpu.memory_space<vmem>>, %arg2: memref<1000x64xf32, #tpu.memory_space<vmem>>, %arg3: memref<1000x64xf32, #tpu.memory_space<vmem>>, %arg4: memref<1000x1xf32, #tpu.memory_space<vmem>>, %arg5: memref<1x64xf32, #tpu.memory_space<vmem>>, %arg6: memref<1000x64xf32, #tpu.memory_space<vmem>>) attributes {dimension_semantics = [#tpu.dimension_semantics<arbitrary>], iteration_bounds = array<i64: 10>, scalar_prefetch = 0 : i64, scratch_operands = 0 : i64, tpu.core_type = #tpu.core_type<tc>, window_params = [{transform_indices = @transform_0, window_bounds = array<i64: 1000, 64>}, {transform_indices = @transform_1, window_bounds = array<i64: 1000, 64>}, {transform_indices = @transform_2, window_bounds = array<i64: 1000, 64>}, {transform_indices = @transform_3, window_bounds = array<i64: 1000, 1>}, {pipeline_mode = #tpu.pipeline_mode<synchronous>, transform_indices = @transform_4, window_bounds = array<i64: 1, 64>}, {transform_indices = @transform_5, window_bounds = array<i64: 1000, 64>}]} {
    %get3A = arith.constant 0 : index
    %get3A_0 = arith.constant 0 : index
    %get3A_1 = vector.load %arg1[%get3A, %get3A_0] : memref<1000x64xf32, #tpu.memory_space<vmem>>, vector<1000x64xf32>
    %get3A_2 = arith.constant 0 : index
    %get3A_3 = arith.constant 0 : index
    %get3A_4 = vector.load %arg2[%get3A_2, %get3A_3] : memref<1000x64xf32, #tpu.memory_space<vmem>>, vector<1000x64xf32>
    %add3A = arith.addf %get3A_1, %get3A_4 : vector<1000x64xf32>
    %get3A_5 = arith.constant 0 : index
    %get3A_6 = arith.constant 0 : index
    %get3A_7 = vector.load %arg3[%get3A_5, %get3A_6] : memref<1000x64xf32, #tpu.memory_space<vmem>>, vector<1000x64xf32>
    %add3A_8 = arith.addf %add3A, %get3A_7 : vector<1000x64xf32>
    %get3A_9 = arith.constant 0 : index
    %get3A_10 = arith.constant 0 : index
    %get3A_11 = vector.load %arg4[%get3A_9, %get3A_10] : memref<1000x1xf32, #tpu.memory_space<vmem>>, vector<1000x1xf32>
    %mul3A = vector.broadcast %get3A_11 : vector<1000x1xf32> to vector<1000x64xf32>
    %mul3A_12 = arith.mulf %add3A_8, %mul3A : vector<1000x64xf32>
    %get3A_13 = arith.constant 0 : index
    %get3A_14 = arith.constant 0 : index
    %get3A_15 = vector.load %arg5[%get3A_13, %get3A_14] : memref<1x64xf32, #tpu.memory_space<vmem>>, vector<1x64xf32>
    %add3A_16 = vector.broadcast %get3A_15 : vector<1x64xf32> to vector<1000x64xf32>
    %add3A_17 = arith.addf %mul3A_12, %add3A_16 : vector<1000x64xf32>
    %swap3A = arith.constant 0 : index
    %swap3A_18 = arith.constant 0 : index
    %swap3A_19 = vector.load %arg6[%swap3A, %swap3A_18] : memref<1000x64xf32, #tpu.memory_space<vmem>>, vector<1000x64xf32>
    tpu.vector_store %arg6[%swap3A, %swap3A_18], %add3A_17 {strides = array<i32>} : memref<1000x64xf32, #tpu.memory_space<vmem>>, vector<1000x64xf32>,
    return
  }
  func.func @transform_0(%arg0: i32) -> (i32, i32) {
    %c0_i32 = arith.constant 0 : i32
    %c0_i32_0 = arith.constant 0 : i32
    return %arg0, %c0_i32 : i32, i32
  }
  func.func @transform_1(%arg0: i32) -> (i32, i32) {
    %c0_i32 = arith.constant 0 : i32
    %c0_i32_0 = arith.constant 0 : i32
    return %arg0, %c0_i32 : i32, i32
  }
  func.func @transform_2(%arg0: i32) -> (i32, i32) {
    %c0_i32 = arith.constant 0 : i32
    %c0_i32_0 = arith.constant 0 : i32
    return %arg0, %c0_i32 : i32, i32
  }
  func.func @transform_3(%arg0: i32) -> (i32, i32) {
    %c0_i32 = arith.constant 0 : i32
    %c0_i32_0 = arith.constant 0 : i32
    return %arg0, %c0_i32 : i32, i32
  }
  func.func @transform_4(%arg0: i32) -> (i32, i32) {
    %c0_i32 = arith.constant 0 : i32
    %c0_i32_0 = arith.constant 0 : i32
    %c0_i32_1 = arith.constant 0 : i32
    return %c0_i32, %c0_i32_0 : i32, i32
  }
  func.func @transform_5(%arg0: i32) -> (i32, i32) {
    %c0_i32 = arith.constant 0 : i32
    %c0_i32_0 = arith.constant 0 : i32
    return %arg0, %c0_i32 : i32, i32
  }
}

</mosaic_0001>

<sc_bundles>
// kernel: kernel.12.cloned.1.call-start
scs
__scs_entry_jumppad:
0x0: {  	(pc) =	sbr.rel $0x88, $3  }
0x1: {  	(tag) =	ssettag $0x0;
	lr =	simm.s32 $0x1  }
0x2: {  	[smem:$0x3F9A] =	sst lr;
	_ =	strace $0xD0000000  }
0x3: {  	_ = 	snop  }
0x4: {  	_ = 	snop  }
0x5: {  	_ = 	snop  }
0x6: {  	_ = 	snop  }
0x7: {  	_ = 	snop  }
__scs_overlays_trampoline_lowered:
0x8: {  	[smem:$0x3FA9] =	sst s0  }
0x9: {  	[smem:$0x3FAA] =	sst s1  }
0xa: {  	[smem:$0x3FAB] =	sst s2  }
0xb: {  	[smem:$0x3FAC] =	sst s3  }
0xc: {  	[smem:$0x3FAD] =	sst s4  }
0xd: {  	[smem:$0x3FAE] =	sst s5  }
0xe: {  	[smem:$0x3FAF] =	sst s6  }
0xf: {  	[smem:$0x3FB0] =	sst s7  }
0x10: {  	[smem:$0x3FB1] =	sst s8  }
0x11: {  	[smem:$0x3FB2] =	sst s9;
	s0 =	simm.s32 @!p0 $0x0  }
0x12: {  	s1 =	sld [smem:$0x3F98];
	s0 =	simm.s32 @p0 $0x1  }
0x13: {  	[smem:$0x3FB3] =	sst s0;
	s0 =	simm.s32 @!p1 $0x0  }
0x14: {  	s2 =	sld [smem:$0x3F97];
	s0 =	simm.s32 @p1 $0x1  }
0x15: {  	[smem:$0x3FB4] =	sst s0;
	s0 =	simm.s32 @!p2 $0x0  }
0x16: {  	s3 =	sld [smem:$0x3FDB];
	s0 =	simm.s32 @p2 $0x1  }
0x17: {  	s4 =	simm.s32 $0x1BF5;
	[smem:$0x3FB6] =	sst s0  }
0x18: {  	s0 =	sld [smem:$0x3F99];
	_ =	swait.ge [sflag:s4], $0x0  }
0x19: {  	s7 =	sld [smem:$0x3F9A]  }
0x1a: {  	s8 =	sadd.s32 $0xFFFFE003, lr  }
0x1b: {  	s9 =	sadd.s32 $0xFFFFFEF7, lr;
	s5 =	simm.s32 $0xFFFFFFFF;
	p2 =	slt.u32 s8, $0xFFFFF086  }
0x1c: {  	p1 =	slt.u32 s9, $0xF7A;
	s5 =	simm.s32 @!p2 $0x0  }
0x1d: {  	s5 =	simm.s32 @p1 $0x1;
	p0 =	seq.s32 s7, s2  }
0x1e: {  	s7 =	smul.u32 @!p0 $0xF7A, s2;
	p2 =	seq.s32 @!p0 s5, $0x0  }
0x1f: {  	s9 =	smul.u32 $0xF7A, s1;
	s8 =	simm.s32 @!p0 $0x1BF5;
	p2 =	por !p2, p0  }
0x20: {  	[sflag:s8] =	ssyncset.s32 @!p0 $0xFFFFF086;
	s6 =	sadd.s32 @!p0 s3, s7;
	s7 =	simm.s32 @!p0 $0x108  }
0x21: {  	s3 =	sadd.s32 s3, s9;
	s6 =	sadd.s32 @!p0 $0x88, s6;
	s7 =	simm.s32 @p2 $0x1082  }
0x22: {  	[simem:s7], [sflag:s8] =	dma.local @!p0 [hbm:s6], $0xF7A  }
0x23: {  	s9 =	sor.u32 $0xD0000000, s2;
	s6 =	simm.s32 $0x108;
	_ =	swait.ge @!p0 [sflag:s8], $0x0  }
0x24: {  	s3 =	sadd.s32 $0x88, s3;
	s6 =	simm.s32 @!p1 $0x1082;
	[sflag:s4] =	ssyncset.s32 $0xFFFFF086  }
0x25: {  	[simem:s6], [sflag:s4] =	dma.local [hbm:s3], $0xF7A  }
0x26: {  	[smem:$0x3F9A] =	sst s1;
	(tag) =	ssettag s2;
	_ =	strace s9  }
0x27: {  	s1 =	sld [smem:$0x3FAA]  }
0x28: {  	s2 =	sld [smem:$0x3FAB]  }
0x29: {  	s4 =	sld [smem:$0x3FAD]  }
0x2a: {  	p0 =	seq.s32 s5, $0x0;
	s5 =	sld [smem:$0x3FAE]  }
0x2b: {  	s6 =	sld [smem:$0x3FAF]  }
0x2c: {  	s7 =	sld [smem:$0x3FB0]  }
0x2d: {  	s3 =	simm.s32 $0x108;
	s8 =	sld [smem:$0x3FB1]  }
0x2e: {  	s3 =	simm.s32 @!p0 $0x1082;
	s9 =	sld [smem:$0x3FB2]  }
0x2f: {  	lr =	sadd.s32 s0, s3;
	s0 =	sld [smem:$0x3FA9]  }
0x30: {  	s3 =	sld [smem:$0x3FAC]  }
0x31: {  	[smem:$0x3FB5] =	sst s10  }
0x32: {  	s10 =	sld [smem:$0x3FB3];
	_ =	sdelay $0x3  }
0x33: {  	p0 =	seq.s32 s10, $0x1;
	s10 =	sld [smem:$0x3FB5];
	_ =	sdelay $0x3  }
0x34: {  	[smem:$0x3FB5] =	sst s10  }
0x35: {  	s10 =	sld [smem:$0x3FB4];
	_ =	sdelay $0x3  }
0x36: {  	p1 =	seq.s32 s10, $0x1;
	s10 =	sld [smem:$0x3FB5];
	_ =	sdelay $0x3  }
0x37: {  	[smem:$0x3FB5] =	sst s10  }
0x38: {  	s10 =	sld [smem:$0x3FB6]  }
0x39: {  	_ = 	snop;
	(pc) =	sbr.ind lr, $3  }
0x3a: {  	_ = 	snop  }
0x3b: {  	_ = 	snop  }
0x3c: {  	p2 =	seq.s32 s10, $0x1;
	s10 =	sld [smem:$0x3FB5]  }
0x3d: {  	_ =	shalt  }
0x3e: {  	_ =	shalt  }
0x3f: {  	_ =	shalt  }
0x40: {  	_ =	shalt  }
0x41: {  	_ =	shalt  }
0x42: {  	_ =	shalt  }
0x43: {  	_ =	shalt  }
0x44: {  	_ =	shalt  }
0x45: {  	_ =	shalt  }
0x46: {  	_ =	shalt  }
0x47: {  	_ =	shalt  }
0x48: {  	_ =	shalt  }
0x49: {  	_ =	shalt  }
0x4a: {  	_ =	shalt  }
0x4b: {  	_ =	shalt  }
0x4c: {  	_ =	shalt  }
0x4d: {  	_ =	shalt  }
0x4e: {  	_ =	shalt  }
0x4f: {  	_ =	shalt  }
0x50: {  	_ =	shalt  }
0x51: {  	_ =	shalt  }
0x52: {  	_ =	shalt  }
0x53: {  	_ =	shalt  }
0x54: {  	_ =	shalt  }
0x55: {  	_ =	shalt  }
0x56: {  	_ =	shalt  }
0x57: {  	_ =	shalt  }
0x58: {  	_ =	shalt  }
0x59: {  	_ =	shalt  }
0x5a: {  	_ =	shalt  }
0x5b: {  	_ =	shalt  }
0x5c: {  	_ =	shalt  }
0x5d: {  	_ =	shalt  }
0x5e: {  	_ =	shalt  }
0x5f: {  	_ =	shalt  }
0x60: {  	_ =	shalt  }
0x61: {  	_ =	shalt  }
0x62: {  	_ =	shalt  }
0x63: {  	_ =	shalt  }
0x64: {  	_ =	shalt  }
0x65: {  	_ =	shalt  }
0x66: {  	_ =	shalt  }
0x67: {  	_ =	shalt  }
0x68: {  	_ =	shalt  }
0x69: {  	_ =	shalt  }
0x6a: {  	_ =	shalt  }
0x6b: {  	_ =	shalt  }
0x6c: {  	_ =	shalt  }
0x6d: {  	_ =	shalt  }
0x6e: {  	_ =	shalt  }
0x6f: {  	_ =	shalt  }
0x70: {  	_ =	shalt  }
0x71: {  	_ =	shalt  }
0x72: {  	_ =	shalt  }
0x73: {  	_ =	shalt  }
0x74: {  	_ =	shalt  }
0x75: {  	_ =	shalt  }
0x76: {  	_ =	shalt  }
0x77: {  	_ =	shalt  }
0x78: {  	_ =	shalt  }
0x79: {  	_ =	shalt  }
0x7a: {  	_ =	shalt  }
0x7b: {  	_ =	shalt  }
0x7c: {  	_ =	shalt  }
0x7d: {  	_ =	shalt  }
0x7e: {  	_ =	shalt  }
0x7f: {  	_ =	shalt  }
0x80: {  	_ =	shalt  }
0x81: {  	_ =	shalt  }
0x82: {  	_ =	shalt  }
0x83: {  	_ =	shalt  }
0x84: {  	_ =	shalt  }
0x85: {  	_ =	shalt  }
0x86: {  	_ =	shalt  }
0x87: {  	_ =	shalt  }
.Lfunc_end0:
.L_simem_size_0:
called_computation.1_lowered:
.L_overlay_start_0:
0x88: {  	s2 =	sld [smem:$0x3FD9]  }
0x89: {  	s3 =	sld [smem:$0x3FFE];
	_ =	sdelay $0x1  }
0x8a: {  	s1 =	srdreg.scid  }
0x8b: {  	s0 =	sand.u32 $0x1, s1  }
0x8c: {  	s16 =	sshll.u32 s0, $0xA;
	s2 =	sadd.s32 s3, s2  }
0x8d: {  	s2 =	sadd.s32 s2, s16  }
0x8e: {  	[smem:$0x3FC1] =	sst s2  }
0x8f: {  	_ = 	snop  }
0x90: {  	(tm) =	ssettm $0x1  }
0x91: {  	s17 =	sld [smem:$0x3FFB];
	_ =	sdelay $0x3  }
0x92: {  	_ =	strace s17  }
0x93: {  	s2 =	sld [smem:$0x3FFC];
	_ =	sdelay $0x3  }
0x94: {  	_ =	strace s2  }
0x95: {  	s2 =	sld [smem:$0x3FFD];
	_ =	sdelay $0x3  }
0x96: {  	_ =	strace s2  }
0x97: {  	_ =	strace $0x8FFFFFFF  }
0x98: {  	s18 =	sld [smem:$0x3FDB];
	_ =	sdelay $0x1  }
0x99: {  	s19 =	simm.s32 $_scs_section_size  }
0x9a: {  	s4 =	simm.s32 $_size__tile_overlayer_lowered;
	s5 =	simm.s32 $_tile_overlayer_lowered  }
0x9b: {  	s22 =	simm.s32 $0x1BFF;
	s21 =	sshll.u32 s5, $0x1;
	s2 =	sadd.s32 s19, s18  }
0x9c: {  	s6 =	simm.s32 $0x0;
	s20 =	sshll.u32 s4, $0x1;
	s4 =	sadd.s32 s21, s2  }
0x9d: {  	[timem:s6], [sflag:s22] =	dma.local [hbm:s4], s20  }
0x9e: {  	_ =	swait.ge [sflag:s22], s20  }
0x9f: {  	s3 =	ssub.s32 $0x0, s20;
	[sflag:s22] =	ssyncset.done $0x0  }
0xa0: {  	[sflag:s22] =	ssyncadd.s32 s3;
	_ =	sdelay $0x1  }
0xa1: {  	s23 =	simm.s32 $0x1B8B  }
0xa2: {  	_ =	swait.ge [sflag:s23], $0x1  }
0xa3: {  	[sflag:s23] =	ssyncset.done $0x0  }
0xa4: {  	s25 =	simm.s32 $0x1B8E;
	s24 =	sld [smem:$0x3FFE];
	[sflag:s23] =	ssyncadd.s32 $0xFFFFFFFF  }
0xa5: {  	s26 =	simm.s32 $execute0_lowered;
	[smem:$0x3FD2] =	sst s25  }
0xa6: {  	s4 =	sshll.u32 s26, $0x1;
	_ =	strace $0x80000049;
	[dreg:$0x1] =	wrdreg $0xFFFFFFFF  }
0xa7: {  	s28 =	simm.s32 $_size_execute0_lowered;
	s2 =	sadd.s32 s2, s4;
	[dreg:$0x0] =	wrdreg $0x0  }
0xa8: {  	s4 =	sshll.u32 s28, $0x1;
	[dreg:$0x2] =	wrdreg s2  }
0xa9: {  	[dreg:$0x3] =	wrdreg s4  }
0xaa: {  	[dreg:$0x4] =	wrdreg $0xC0  }
0xab: {  	_ =	task [dreg:s6], $0x5FFFF  }
0xac: {  	[dreg:$0x1] =	wrdreg $0xFFFFFFFF  }
0xad: {  	[dreg:$0x0] =	wrdreg $0x60  }
0xae: {  	[dreg:$0x2] =	wrdreg s24  }
0xaf: {  	[dreg:$0x3] =	wrdreg $0x0  }
0xb0: {  	[dreg:$0x4] =	wrdreg $0x9  }
0xb1: {  	_ =	task.clear_ibuf [dreg:s6], $0x5FFFF;
	_ =	strace $0x90000049  }
0xb2: {  	s29 =	simm.s32 $0x9;
	_ =	strace $0x8000004B  }
0xb3: {  	_ =	swait.ge [sflag:s29], $0x1  }
0xb4: {  	[sflag:s29] =	ssyncadd.s32 $0xFFFFFFFF  }
0xb5: {  	_ =	strace $0x9000004B  }
0xb6: {  	_ =	sfence  }
0xb7: {  	s30 =	sld [smem:$0x0];
	_ =	sdelay $0x2  }
0xb8: {  	s31 =	sshll.u32 s1, $0xD;
	s1 =	sshrl.u32 s1, $0x2  }
0xb9: {  	s3 =	sand.u32 $0x4000, s31;
	s1 =	sadd.s32 s1, s30  }
0xba: {  	s0 =	sor.u32 s3, s0;
	s1 =	sshll.u32 s1, $0x11  }
0xbb: {  	s0 =	sor.u32 s1, s0  }
0xbc: {  	s0 =	sadd.s32 $0x8F2B, s0  }
0xbd: {  	[sflag:s0] =	ssyncadd.remote.s32 $0x1  }
0xbe: {  	_ =	sfence.sel $0xFFFF  }
0xbf: {  	[dreg:$0x0] =	wrdreg $0xFFFFFFFF;
	(pc) =	sbr.abs _section_cstart, $3  }
0xc0: {  	[dreg:$0x1] =	wrdreg $0xFFFFFFFF  }
0xc1: {  	_ =	task.clear_ibuf [dreg:s6], $0x2FFFF;
	_ =	strace $0x9FFFFFFF  }
0xc2: {  	(tm) =	ssettm $0x7FFFFFFF  }
0xc3: {  	_ =	shalt  }
tec
execute0_lowered:
.L_overlay_start_1:
0x0: {  	(tag) =	ssettag $0x1  }
0x1: {  	s5 =	rddreg [dreg:$0x0]  }
0x2: {  	s2 =	rddreg [dreg:$0x1]  }
0x3: {  	s0 =	srdreg.scid;
	s1 =	rddreg [dreg:$0x2]  }
0x4: {  	s3 =	simm.s32 $0x0;
	s14 =	simm.s32 $0x168A0;
	s15 =	simm.s32 $0x2  }
0x5: {  	s16 =	simm.s32 $0x14050;
	s17 =	simm.s32 $0x14000;
	s6 =	sand.u32 $0x1, s0  }
0x6: {  	s18 =	simm.s32 $0x50;
	s0 =	stileid.u32;
	s4 =	smul.u32 $0x27100, s6  }
0x7: {  	s19 =	simm.s32 $0x140A0;
	s20 =	simm.s32 $0x1;
	s7 =	smul.u32 $0x2710, s0  }
0x8: {  	s22 =	simm.s32 $0x0;
	[smem:$0x7FF] =	sst s3;
	s8 =	smul.u32 $0x2800, s0  }
0x9: {  	s28 =	smul.u32 $0x28000, s6;
	_ =	strace $0x8000004A;
	s6 =	ssub.s32 $0x2, s6  }
0xa: {  	s10 =	smul.u32 $0x50000, s0;
	s21 =	sshll.u32 s0, $0x6;
	s29 =	sshrl.u32 s6, $0x1  }
0xb: {  	s21 =	sor.u32 $0x1C02, s21;
	s4 =	sadd.s32 s7, s4;
	s7 =	sadd.s32 s8, s28  }
0xc: {  	s30 =	sshrl.u32 s10, $0x2;
	s11 =	ssub.s32 s6, s29;
	s9 =	sshrl.u32 s4, $0x3  }
0xd: {  	s4 =	sadd.s32 $0x15A00, s5;
	s31 =	sadd.s32 s7, s5;
	s11 =	smax.u32 s11, $0x1  }
0xe: {  	s13 =	sadd.s32 s9, s5;
	s5 =	sadd.s32 s30, s2;
	s10 =	sadd.s32 $0x63E00, s31  }
0xf: {  	s6 =	sadd.s32 $0x4000, s5;
	s7 =	sadd.s32 $0x8000, s5;
	s8 =	sadd.s32 $0xC000, s5  }
0x10: {  	v0 =	vimm.f32 $0.0e+00;
	s9 =	sadd.s32 $0x10000, s5;
	s12 =	sadd.s32 $0xBC00, s13;
	s13 =	sadd.s32 $0x1E00, s13  }
.LBB2_1:
0x11: {  	s23 =	simm.s32 $0x0;
	s24 =	simm.s32 $0x200  }
.LBB2_2:
0x12: {  	p0 =	sne.s32 s24, $0xFE00;
	[tilespmem:s23+$0x16910] =	vst v0  }
0x13: {  	[tilespmem:s23+$0x168A0] =	vst v0  }
0x14: {  	[tilespmem:s23+$0x168B0] =	vst v0  }
.Ltmp0:
0x15: {  	[tilespmem:s23+$0x168C0] =	vst v0;
	(pc) =	sbr.rel @p0 .LBB2_2-.Ltmp0, $4  }
0x16: {  	[tilespmem:s23+$0x168D0] =	vst v0  }
0x17: {  	[tilespmem:s23+$0x168E0] =	vst v0  }
0x18: {  	[tilespmem:s23+$0x168F0] =	vst v0  }
0x19: {  	[tilespmem:s23+$0x16900] =	vst v0;
	s23 =	sshra.s32 s24, $0x2;
	s24 =	sadd.s32 $0x200, s24  }
0x1a: {  	[tilespmem:s23+$0x16910] =	vst v0  }
0x1b: {  	[tilespmem:s23+$0x168A0] =	vst v0  }
0x1c: {  	[tilespmem:s23+$0x168B0] =	vst v0  }
0x1d: {  	[tilespmem:s23+$0x168C0] =	vst v0  }
0x1e: {  	[tilespmem:s23+$0x168D0] =	vst v0  }
0x1f: {  	[tilespmem:s23+$0x168E0] =	vst v0  }
0x20: {  	[tilespmem:s23+$0x168F0] =	vst v0  }
0x21: {  	[tilespmem:s23+$0x16900] =	vst v0  }
0x22: {  	[spmem:s5] =	stream.linear.scatter [tilespmem:s14], [sflag:$0x2], $0x4000, $0x38;
	[tilespmem:$0x1A8A0] =	vst v63  }
0x23: {  	_ =	swait.ge [sflag:s15], $0x4000  }
0x24: {  	[sflag:s15] =	ssyncset.done $0x0  }
0x25: {  	[sflag:s15] =	ssyncadd.s32 $0xFFFFC000  }
0x26: {  	[spmem:s6] =	stream.linear.scatter [tilespmem:s14], [sflag:$0x2], $0x4000, $0x38;
	[tilespmem:$0x1A8A0] =	vst v63  }
0x27: {  	_ =	swait.ge [sflag:s15], $0x4000  }
0x28: {  	[sflag:s15] =	ssyncset.done $0x0  }
0x29: {  	[sflag:s15] =	ssyncadd.s32 $0xFFFFC000  }
0x2a: {  	[spmem:s7] =	stream.linear.scatter [tilespmem:s14], [sflag:$0x2], $0x4000, $0x38;
	[tilespmem:$0x1A8A0] =	vst v63  }
0x2b: {  	_ =	swait.ge [sflag:s15], $0x4000  }
0x2c: {  	[sflag:s15] =	ssyncset.done $0x0  }
0x2d: {  	[sflag:s15] =	ssyncadd.s32 $0xFFFFC000  }
0x2e: {  	[spmem:s8] =	stream.linear.scatter [tilespmem:s14], [sflag:$0x2], $0x4000, $0x38;
	[tilespmem:$0x1A8A0] =	vst v63  }
0x2f: {  	_ =	swait.ge [sflag:s15], $0x4000  }
0x30: {  	[sflag:s15] =	ssyncset.done $0x0  }
0x31: {  	[sflag:s15] =	ssyncadd.s32 $0xFFFFC000  }
0x32: {  	[spmem:s9] =	stream.linear.scatter [tilespmem:s14], [sflag:$0x2], $0x4000, $0x38;
	[tilespmem:$0x1A8A0] =	vst v63  }
0x33: {  	_ =	swait.ge [sflag:s15], $0x4000  }
0x34: {  	[sflag:s15] =	ssyncset.done $0x0  }
0x35: {  	[sflag:s15] =	ssyncadd.s32 $0xFFFFC000  }
0x36: {  	s30 =	sadd.s32 $0x0, s13;
	[bflag:$0x0] =	sbarrier.arrive $0xFFFF  }
0x37: {  	[tilespmem:s16], [sflag:$0x2] =	stream.linear.gather [hbm4b:s30+s3], $0x50, $0x38;
	[tilespmem:$0x1A8A0] =	vst v63  }
0x38: {  	_ =	swait.ge [sflag:s15], $0x50  }
0x39: {  	[sflag:s15] =	ssyncset.done $0x0  }
0x3a: {  	s31 =	sadd.s32 $0x0, s12;
	[sflag:s15] =	ssyncadd.s32 $0xFFFFFFB0  }
0x3b: {  	[tilespmem:s17], [sflag:$0x2] =	stream.linear.gather [hbm4b:s31+s3], $0x50, $0x38;
	[tilespmem:$0x1A8A0] =	vst v63  }
0x3c: {  	_ =	swait.ge [sflag:s15], $0x50  }
0x3d: {  	[sflag:s15] =	ssyncset.done $0x0  }
0x3e: {  	[sflag:s15] =	ssyncadd.s32 $0xFFFFFFB0  }
0x3f: {  	[tilespmem:s19], [sflag:$0x1] =	stream.indirect.gather [hbm4b:s4+s18], $0x80, s16, s18, $0xb8;
	[tilespmem:$0x1A8A0] =	vst v63  }
0x40: {  	_ =	swait.ge [sflag:s20], $0x2800  }
0x41: {  	[sflag:s20] =	ssyncset.done $0x0  }
0x42: {  	[sflag:s20] =	ssyncadd.s32 $0xFFFFD800  }
0x43: {  	[spmem:s2] =	stream.indirect.scatter.add.f32 [tilespmem:s19], [sflag:$0x2], $0x80, s17, s18, $0xb8;
	[tilespmem:$0x1A8A0] =	vst v63  }
0x44: {  	_ =	swait.ge [sflag:s15], $0x2800  }
0x45: {  	s23 =	simm.s32 $0xA;
	s24 =	simm.s32 $0x14;
	[sflag:s15] =	ssyncset.done $0x0  }
.LBB2_4:
0x46: {  	s25 =	sadd.s32 s23, s13  }
0x47: {  	[sflag:s15] =	ssyncadd.s32 $0xFFFFD800;
	s26 =	smov.u32 s24;
	s28 =	sadd.s32 $0xA, s24  }
0x48: {  	[tilespmem:s16], [sflag:$0x2] =	stream.linear.gather [hbm4b:s25+s3], $0x50, $0x38;
	[tilespmem:$0x1A8A0] =	vst v63  }
0x49: {  	p0 =	sne.s32 s24, $0x4D8;
	_ =	swait.ge [sflag:s15], $0x50  }
0x4a: {  	[sflag:s15] =	ssyncset.done $0x0  }
0x4b: {  	s24 =	sadd.s32 s23, s12;
	s23 =	smov.u32 s26;
	[sflag:s15] =	ssyncadd.s32 $0xFFFFFFB0  }
0x4c: {  	[tilespmem:s17], [sflag:$0x2] =	stream.linear.gather [hbm4b:s24+s3], $0x50, $0x38;
	[tilespmem:$0x1A8A0] =	vst v63  }
0x4d: {  	_ =	swait.ge [sflag:s15], $0x50  }
0x4e: {  	[sflag:s15] =	ssyncset.done $0x0  }
0x4f: {  	[sflag:s15] =	ssyncadd.s32 $0xFFFFFFB0  }
0x50: {  	[tilespmem:s19], [sflag:$0x1] =	stream.indirect.gather [hbm4b:s4+s18], $0x80, s16, s18, $0xb8;
	[tilespmem:$0x1A8A0] =	vst v63  }
0x51: {  	_ =	swait.ge [sflag:s20], $0x2800  }
.Ltmp1:
0x52: {  	[sflag:s20] =	ssyncset.done $0x0;
	(pc) =	sbr.rel @p0 .LBB2_4-.Ltmp1, $4  }
0x53: {  	[sflag:s20] =	ssyncadd.s32 $0xFFFFD800  }
0x54: {  	[spmem:s2] =	stream.indirect.scatter.add.f32 [tilespmem:s19], [sflag:$0x2], $0x80, s17, s18, $0xb8;
	[tilespmem:$0x1A8A0] =	vst v63  }
0x55: {  	_ =	swait.ge [sflag:s15], $0x2800  }
0x56: {  	s24 =	smov.u32 s28;
	[sflag:s15] =	ssyncset.done $0x0  }
0x57: {  	s24 =	sadd.s32 s23, s13;
	[sflag:s15] =	ssyncadd.s32 $0xFFFFD800  }
0x58: {  	[tilespmem:s16], [sflag:$0x2] =	stream.linear.gather [hbm4b:s24+s3], $0x50, $0x38;
	[tilespmem:$0x1A8A0] =	vst v63  }
0x59: {  	_ =	swait.ge [sflag:s15], $0x50  }
0x5a: {  	[sflag:s15] =	ssyncset.done $0x0  }
0x5b: {  	s30 =	sadd.s32 s23, s12;
	[sflag:s15] =	ssyncadd.s32 $0xFFFFFFB0  }
0x5c: {  	[tilespmem:s17], [sflag:$0x2] =	stream.linear.gather [hbm4b:s30+s3], $0x50, $0x38;
	[tilespmem:$0x1A8A0] =	vst v63  }
0x5d: {  	_ =	swait.ge [sflag:s15], $0x50  }
0x5e: {  	[sflag:s15] =	ssyncset.done $0x0  }
0x5f: {  	[sflag:s15] =	ssyncadd.s32 $0xFFFFFFB0  }
0x60: {  	[tilespmem:s19], [sflag:$0x1] =	stream.indirect.gather [hbm4b:s4+s18], $0x80, s16, s18, $0xb8;
	[tilespmem:$0x1A8A0] =	vst v63  }
0x61: {  	_ =	swait.ge [sflag:s20], $0x2800  }
0x62: {  	[sflag:s20] =	ssyncset.done $0x0  }
0x63: {  	[sflag:s20] =	ssyncadd.s32 $0xFFFFD800  }
0x64: {  	[spmem:s2] =	stream.indirect.scatter.add.f32 [tilespmem:s19], [sflag:$0x2], $0x80, s17, s18, $0xb8;
	[tilespmem:$0x1A8A0] =	vst v63  }
0x65: {  	_ =	swait.ge [sflag:s15], $0x2800  }
0x66: {  	s22 =	sadd.s32 $0x1, s22;
	[sflag:s15] =	ssyncset.done $0x0  }
0x67: {  	p0 =	sne.s32 s22, s11;
	[sflag:s15] =	ssyncadd.s32 $0xFFFFD800  }
.Ltmp2:
0x68: {  	s31 =	sshrl.u32 s5, $0x3;
	[bflag:$0x0] =	sbarrier.arrive $0xFFFF;
	(pc) =	sbr.rel @p0 .LBB2_1-.Ltmp2, $4  }
0x69: {  	[hbm:s10], [sflag:s21] =	dma.local [spmem:s31], $0x2800  }
0x6a: {  	_ =	swait.ge [sflag:s15], $0x2800  }
0x6b: {  	[sflag:s15] =	ssyncset.done $0x0  }
0x6c: {  	[sflag:s15] =	ssyncadd.s32 $0xFFFFD800  }
0x6d: {  	_ =	sfence.sel $0x180000  }
0x6e: {  	[bflag:$0x0] =	sbarrier.arrive $0xFFFF  }
0x6f: {  	p0 =	sne.s32 s0, $0x0;
	_ =	strace $0x9000004A  }
0x70: {  	s0 =	sadd.s32 @!p0 $0x100000, s1;
	[bflag:$0x2] =	sbarrier.arrive $0xFFFF  }
0x71: {  	[sflag:s0] =	ssyncadd.tile.s32 @!p0 $0x1;
	_ =	shalt  }
.Lfunc_end2:
_tile_overlayer_lowered:
.L_overlay_start_2:
0x72: {  	(tag) =	ssettag $0x2  }
0x73: {  	s0 =	rddreg [dreg:$0x0];
	s2 =	stileid.u32  }
0x74: {  	s1 =	rddreg [dreg:$0x1];
	p0 =	sne.s32 s2, $0x0  }
0x75: {  	s3 =	rddreg [dreg:$0x2];
	[bflag:$0x3] =	sbarrier.arrive $0xFFFF;
	s2 =	simm.s32 @!p0 $0x1C02  }
0x76: {  	[timem:s3], [sflag:s2] =	dma.local @!p0 [hbm:s0], s1  }
0x77: {  	s0 =	simm.s32 @!p0 $0x2  }
0x78: {  	_ =	swait.ge @!p0 [sflag:s0], s1  }
0x79: {  	s1 =	ssub.s32 @!p0 $0x0, s1;
	[sflag:s0] =	ssyncset.done @!p0 $0x0  }
0x7a: {  	[sflag:s0] =	ssyncadd.s32 @!p0 s1  }
0x7b: {  	[bflag:$0x3] =	sbarrier.arrive $0xFFFF  }
0x7c: {  	_ =	shalt  }

// kernel: kernel.15.cloned.1.call-start
scs
__scs_entry_jumppad:
0x0: {  	(pc) =	sbr.rel $0x88, $3  }
0x1: {  	(tag) =	ssettag $0x0;
	lr =	simm.s32 $0x1  }
0x2: {  	[smem:$0x3F9A] =	sst lr;
	_ =	strace $0xD0000000  }
0x3: {  	_ = 	snop  }
0x4: {  	_ = 	snop  }
0x5: {  	_ = 	snop  }
0x6: {  	_ = 	snop  }
0x7: {  	_ = 	snop  }
__scs_overlays_trampoline_lowered:
0x8: {  	[smem:$0x3FA9] =	sst s0  }
0x9: {  	[smem:$0x3FAA] =	sst s1  }
0xa: {  	[smem:$0x3FAB] =	sst s2  }
0xb: {  	[smem:$0x3FAC] =	sst s3  }
0xc: {  	[smem:$0x3FAD] =	sst s4  }
0xd: {  	[smem:$0x3FAE] =	sst s5  }
0xe: {  	[smem:$0x3FAF] =	sst s6  }
0xf: {  	[smem:$0x3FB0] =	sst s7  }
0x10: {  	[smem:$0x3FB1] =	sst s8  }
0x11: {  	[smem:$0x3FB2] =	sst s9;
	s0 =	simm.s32 @!p0 $0x0  }
0x12: {  	s1 =	sld [smem:$0x3F98];
	s0 =	simm.s32 @p0 $0x1  }
0x13: {  	[smem:$0x3FB3] =	sst s0;
	s0 =	simm.s32 @!p1 $0x0  }
0x14: {  	s2 =	sld [smem:$0x3F97];
	s0 =	simm.s32 @p1 $0x1  }
0x15: {  	[smem:$0x3FB4] =	sst s0;
	s0 =	simm.s32 @!p2 $0x0  }
0x16: {  	s3 =	sld [smem:$0x3FDB];
	s0 =	simm.s32 @p2 $0x1  }
0x17: {  	s4 =	simm.s32 $0x1BF5;
	[smem:$0x3FB6] =	sst s0  }
0x18: {  	s0 =	sld [smem:$0x3F99];
	_ =	swait.ge [sflag:s4], $0x0  }
0x19: {  	s7 =	sld [smem:$0x3F9A]  }
0x1a: {  	s8 =	sadd.s32 $0xFFFFE003, lr  }
0x1b: {  	s9 =	sadd.s32 $0xFFFFFEF7, lr;
	s5 =	simm.s32 $0xFFFFFFFF;
	p2 =	slt.u32 s8, $0xFFFFF086  }
0x1c: {  	p1 =	slt.u32 s9, $0xF7A;
	s5 =	simm.s32 @!p2 $0x0  }
0x1d: {  	s5 =	simm.s32 @p1 $0x1;
	p0 =	seq.s32 s7, s2  }
0x1e: {  	s7 =	smul.u32 @!p0 $0xF7A, s2;
	p2 =	seq.s32 @!p0 s5, $0x0  }
0x1f: {  	s9 =	smul.u32 $0xF7A, s1;
	s8 =	simm.s32 @!p0 $0x1BF5;
	p2 =	por !p2, p0  }
0x20: {  	[sflag:s8] =	ssyncset.s32 @!p0 $0xFFFFF086;
	s6 =	sadd.s32 @!p0 s3, s7;
	s7 =	simm.s32 @!p0 $0x108  }
0x21: {  	s3 =	sadd.s32 s3, s9;
	s6 =	sadd.s32 @!p0 $0x88, s6;
	s7 =	simm.s32 @p2 $0x1082  }
0x22: {  	[simem:s7], [sflag:s8] =	dma.local @!p0 [hbm:s6], $0xF7A  }
0x23: {  	s9 =	sor.u32 $0xD0000000, s2;
	s6 =	simm.s32 $0x108;
	_ =	swait.ge @!p0 [sflag:s8], $0x0  }
0x24: {  	s3 =	sadd.s32 $0x88, s3;
	s6 =	simm.s32 @!p1 $0x1082;
	[sflag:s4] =	ssyncset.s32 $0xFFFFF086  }
0x25: {  	[simem:s6], [sflag:s4] =	dma.local [hbm:s3], $0xF7A  }
0x26: {  	[smem:$0x3F9A] =	sst s1;
	(tag) =	ssettag s2;
	_ =	strace s9  }
0x27: {  	s1 =	sld [smem:$0x3FAA]  }
0x28: {  	s2 =	sld [smem:$0x3FAB]  }
0x29: {  	s4 =	sld [smem:$0x3FAD]  }
0x2a: {  	p0 =	seq.s32 s5, $0x0;
	s5 =	sld [smem:$0x3FAE]  }
0x2b: {  	s6 =	sld [smem:$0x3FAF]  }
0x2c: {  	s7 =	sld [smem:$0x3FB0]  }
0x2d: {  	s3 =	simm.s32 $0x108;
	s8 =	sld [smem:$0x3FB1]  }
0x2e: {  	s3 =	simm.s32 @!p0 $0x1082;
	s9 =	sld [smem:$0x3FB2]  }
0x2f: {  	lr =	sadd.s32 s0, s3;
	s0 =	sld [smem:$0x3FA9]  }
0x30: {  	s3 =	sld [smem:$0x3FAC]  }
0x31: {  	[smem:$0x3FB5] =	sst s10  }
0x32: {  	s10 =	sld [smem:$0x3FB3];
	_ =	sdelay $0x3  }
0x33: {  	p0 =	seq.s32 s10, $0x1;
	s10 =	sld [smem:$0x3FB5];
	_ =	sdelay $0x3  }
0x34: {  	[smem:$0x3FB5] =	sst s10  }
0x35: {  	s10 =	sld [smem:$0x3FB4];
	_ =	sdelay $0x3  }
0x36: {  	p1 =	seq.s32 s10, $0x1;
	s10 =	sld [smem:$0x3FB5];
	_ =	sdelay $0x3  }
0x37: {  	[smem:$0x3FB5] =	sst s10  }
0x38: {  	s10 =	sld [smem:$0x3FB6]  }
0x39: {  	_ = 	snop;
	(pc) =	sbr.ind lr, $3  }
0x3a: {  	_ = 	snop  }
0x3b: {  	_ = 	snop  }
0x3c: {  	p2 =	seq.s32 s10, $0x1;
	s10 =	sld [smem:$0x3FB5]  }
0x3d: {  	_ =	shalt  }
0x3e: {  	_ =	shalt  }
0x3f: {  	_ =	shalt  }
0x40: {  	_ =	shalt  }
0x41: {  	_ =	shalt  }
0x42: {  	_ =	shalt  }
0x43: {  	_ =	shalt  }
0x44: {  	_ =	shalt  }
0x45: {  	_ =	shalt  }
0x46: {  	_ =	shalt  }
0x47: {  	_ =	shalt  }
0x48: {  	_ =	shalt  }
0x49: {  	_ =	shalt  }
0x4a: {  	_ =	shalt  }
0x4b: {  	_ =	shalt  }
0x4c: {  	_ =	shalt  }
0x4d: {  	_ =	shalt  }
0x4e: {  	_ =	shalt  }
0x4f: {  	_ =	shalt  }
0x50: {  	_ =	shalt  }
0x51: {  	_ =	shalt  }
0x52: {  	_ =	shalt  }
0x53: {  	_ =	shalt  }
0x54: {  	_ =	shalt  }
0x55: {  	_ =	shalt  }
0x56: {  	_ =	shalt  }
0x57: {  	_ =	shalt  }
0x58: {  	_ =	shalt  }
0x59: {  	_ =	shalt  }
0x5a: {  	_ =	shalt  }
0x5b: {  	_ =	shalt  }
0x5c: {  	_ =	shalt  }
0x5d: {  	_ =	shalt  }
0x5e: {  	_ =	shalt  }
0x5f: {  	_ =	shalt  }
0x60: {  	_ =	shalt  }
0x61: {  	_ =	shalt  }
0x62: {  	_ =	shalt  }
0x63: {  	_ =	shalt  }
0x64: {  	_ =	shalt  }
0x65: {  	_ =	shalt  }
0x66: {  	_ =	shalt  }
0x67: {  	_ =	shalt  }
0x68: {  	_ =	shalt  }
0x69: {  	_ =	shalt  }
0x6a: {  	_ =	shalt  }
0x6b: {  	_ =	shalt  }
0x6c: {  	_ =	shalt  }
0x6d: {  	_ =	shalt  }
0x6e: {  	_ =	shalt  }
0x6f: {  	_ =	shalt  }
0x70: {  	_ =	shalt  }
0x71: {  	_ =	shalt  }
0x72: {  	_ =	shalt  }
0x73: {  	_ =	shalt  }
0x74: {  	_ =	shalt  }
0x75: {  	_ =	shalt  }
0x76: {  	_ =	shalt  }
0x77: {  	_ =	shalt  }
0x78: {  	_ =	shalt  }
0x79: {  	_ =	shalt  }
0x7a: {  	_ =	shalt  }
0x7b: {  	_ =	shalt  }
0x7c: {  	_ =	shalt  }
0x7d: {  	_ =	shalt  }
0x7e: {  	_ =	shalt  }
0x7f: {  	_ =	shalt  }
0x80: {  	_ =	shalt  }
0x81: {  	_ =	shalt  }
0x82: {  	_ =	shalt  }
0x83: {  	_ =	shalt  }
0x84: {  	_ =	shalt  }
0x85: {  	_ =	shalt  }
0x86: {  	_ =	shalt  }
0x87: {  	_ =	shalt  }
.Lfunc_end0:
.L_simem_size_0:
called_computation.2_lowered:
.L_overlay_start_0:
0x88: {  	s2 =	sld [smem:$0x3FD9]  }
0x89: {  	s3 =	sld [smem:$0x3FFE];
	_ =	sdelay $0x1  }
0x8a: {  	s1 =	srdreg.scid  }
0x8b: {  	s0 =	sand.u32 $0x1, s1  }
0x8c: {  	s16 =	sshll.u32 s0, $0xA;
	s2 =	sadd.s32 s3, s2  }
0x8d: {  	s2 =	sadd.s32 s2, s16  }
0x8e: {  	[smem:$0x3FC1] =	sst s2  }
0x8f: {  	_ = 	snop  }
0x90: {  	(tm) =	ssettm $0x1  }
0x91: {  	s17 =	sld [smem:$0x3FFB];
	_ =	sdelay $0x3  }
0x92: {  	_ =	strace s17  }
0x93: {  	s2 =	sld [smem:$0x3FFC];
	_ =	sdelay $0x3  }
0x94: {  	_ =	strace s2  }
0x95: {  	s2 =	sld [smem:$0x3FFD];
	_ =	sdelay $0x3  }
0x96: {  	_ =	strace s2  }
0x97: {  	_ =	strace $0x8FFFFFFF  }
0x98: {  	s18 =	sld [smem:$0x3FDB];
	_ =	sdelay $0x1  }
0x99: {  	s19 =	simm.s32 $_scs_section_size  }
0x9a: {  	s4 =	simm.s32 $_size__tile_overlayer_lowered;
	s5 =	simm.s32 $_tile_overlayer_lowered  }
0x9b: {  	s22 =	simm.s32 $0x1BFF;
	s21 =	sshll.u32 s5, $0x1;
	s2 =	sadd.s32 s19, s18  }
0x9c: {  	s6 =	simm.s32 $0x0;
	s20 =	sshll.u32 s4, $0x1;
	s4 =	sadd.s32 s21, s2  }
0x9d: {  	[timem:s6], [sflag:s22] =	dma.local [hbm:s4], s20  }
0x9e: {  	_ =	swait.ge [sflag:s22], s20  }
0x9f: {  	s3 =	ssub.s32 $0x0, s20;
	[sflag:s22] =	ssyncset.done $0x0  }
0xa0: {  	[sflag:s22] =	ssyncadd.s32 s3;
	_ =	sdelay $0x1  }
0xa1: {  	s23 =	simm.s32 $0x1B8B  }
0xa2: {  	_ =	swait.ge [sflag:s23], $0x1  }
0xa3: {  	[sflag:s23] =	ssyncset.done $0x0  }
0xa4: {  	s25 =	simm.s32 $0x1B8E;
	s24 =	sld [smem:$0x3FFE];
	[sflag:s23] =	ssyncadd.s32 $0xFFFFFFFF  }
0xa5: {  	s26 =	simm.s32 $execute0_lowered;
	[smem:$0x3FD2] =	sst s25  }
0xa6: {  	s4 =	sshll.u32 s26, $0x1;
	_ =	strace $0x8000004C;
	[dreg:$0x1] =	wrdreg $0xFFFFFFFF  }
0xa7: {  	s28 =	simm.s32 $_size_execute0_lowered;
	s2 =	sadd.s32 s2, s4;
	[dreg:$0x0] =	wrdreg $0x0  }
0xa8: {  	s4 =	sshll.u32 s28, $0x1;
	[dreg:$0x2] =	wrdreg s2  }
0xa9: {  	[dreg:$0x3] =	wrdreg s4  }
0xaa: {  	[dreg:$0x4] =	wrdreg $0xC0  }
0xab: {  	_ =	task [dreg:s6], $0x5FFFF  }
0xac: {  	[dreg:$0x1] =	wrdreg $0xFFFFFFFF  }
0xad: {  	[dreg:$0x0] =	wrdreg $0x60  }
0xae: {  	[dreg:$0x2] =	wrdreg s24  }
0xaf: {  	[dreg:$0x3] =	wrdreg $0x0  }
0xb0: {  	[dreg:$0x4] =	wrdreg $0x9  }
0xb1: {  	_ =	task.clear_ibuf [dreg:s6], $0x5FFFF;
	_ =	strace $0x9000004C  }
0xb2: {  	s29 =	simm.s32 $0x9;
	_ =	strace $0x8000004E  }
0xb3: {  	_ =	swait.ge [sflag:s29], $0x1  }
0xb4: {  	[sflag:s29] =	ssyncadd.s32 $0xFFFFFFFF  }
0xb5: {  	_ =	strace $0x9000004E  }
0xb6: {  	_ =	sfence  }
0xb7: {  	s30 =	sld [smem:$0x0];
	_ =	sdelay $0x2  }
0xb8: {  	s31 =	sshll.u32 s1, $0xD;
	s1 =	sshrl.u32 s1, $0x2  }
0xb9: {  	s3 =	sand.u32 $0x4000, s31;
	s1 =	sadd.s32 s1, s30  }
0xba: {  	s0 =	sor.u32 s3, s0;
	s1 =	sshll.u32 s1, $0x11  }
0xbb: {  	s0 =	sor.u32 s1, s0  }
0xbc: {  	s0 =	sadd.s32 $0x8F2B, s0  }
0xbd: {  	[sflag:s0] =	ssyncadd.remote.s32 $0x1  }
0xbe: {  	_ =	sfence.sel $0xFFFF  }
0xbf: {  	[dreg:$0x0] =	wrdreg $0xFFFFFFFF;
	(pc) =	sbr.abs _section_cstart, $3  }
0xc0: {  	[dreg:$0x1] =	wrdreg $0xFFFFFFFF  }
0xc1: {  	_ =	task.clear_ibuf [dreg:s6], $0x2FFFF;
	_ =	strace $0x9FFFFFFF  }
0xc2: {  	(tm) =	ssettm $0x7FFFFFFF  }
0xc3: {  	_ =	shalt  }
tec
execute0_lowered:
.L_overlay_start_1:
0x0: {  	(tag) =	ssettag $0x1  }
0x1: {  	s5 =	rddreg [dreg:$0x0]  }
0x2: {  	s2 =	rddreg [dreg:$0x1]  }
0x3: {  	s0 =	srdreg.scid;
	s1 =	rddreg [dreg:$0x2]  }
0x4: {  	s3 =	simm.s32 $0x0;
	s14 =	simm.s32 $0xB4A0;
	s15 =	simm.s32 $0x2  }
0x5: {  	s16 =	simm.s32 $0xA050;
	s17 =	simm.s32 $0xA000;
	s6 =	sand.u32 $0x1, s0  }
0x6: {  	s18 =	simm.s32 $0x50;
	s0 =	stileid.u32;
	s4 =	smul.u32 $0x27100, s6  }
0x7: {  	s19 =	simm.s32 $0xA0A0;
	s20 =	simm.s32 $0x1;
	s7 =	smul.u32 $0x2710, s0  }
0x8: {  	s22 =	simm.s32 $0x0;
	[smem:$0x7FF] =	sst s3;
	s8 =	smul.u32 $0x1400, s0  }
0x9: {  	s28 =	smul.u32 $0x14000, s6;
	_ =	strace $0x8000004D;
	s6 =	ssub.s32 $0x2, s6  }
0xa: {  	s10 =	smul.u32 $0x28000, s0;
	s21 =	sshll.u32 s0, $0x6;
	s29 =	sshrl.u32 s6, $0x1  }
0xb: {  	s21 =	sor.u32 $0x1C02, s21;
	s4 =	sadd.s32 s7, s4;
	s7 =	sadd.s32 s8, s28  }
0xc: {  	s30 =	sshrl.u32 s10, $0x2;
	s11 =	ssub.s32 s6, s29;
	s9 =	sshrl.u32 s4, $0x3  }
0xd: {  	s4 =	sadd.s32 $0x15A00, s5;
	s31 =	sadd.s32 s7, s5;
	s11 =	smax.u32 s11, $0x1  }
0xe: {  	s13 =	sadd.s32 s9, s5;
	s5 =	sadd.s32 s30, s2;
	s10 =	sadd.s32 $0x63E00, s31  }
0xf: {  	s6 =	sadd.s32 $0x2000, s5;
	s7 =	sadd.s32 $0x4000, s5;
	s8 =	sadd.s32 $0x6000, s5  }
0x10: {  	v0 =	vimm.f32 $0.0e+00;
	s9 =	sadd.s32 $0x8000, s5;
	s12 =	sadd.s32 $0xBC00, s13;
	s13 =	sadd.s32 $0x1E00, s13  }
.LBB2_1:
0x11: {  	s24 =	simm.s32 $0x100;
	s23 =	simm.s32 $0x0  }
.LBB2_2:
0x12: {  	p0 =	sne.s32 s24, $0x7F00;
	[tilespmem:s23+$0xB4D0] =	vst v0;
	s25 =	smov.u32 s24;
	s24 =	sadd.s32 $0x100, s24  }
.Ltmp0:
0x13: {  	[tilespmem:s23+$0xB4C0] =	vst v0;
	(pc) =	sbr.rel @p0 .LBB2_2-.Ltmp0, $3  }
0x14: {  	[tilespmem:s23+$0xB4A0] =	vst v0  }
0x15: {  	[tilespmem:s23+$0xB4B0] =	vst v0;
	_ =	sdelay $0x1  }
0x16: {  	s23 =	sshra.s32 s25, $0x2  }
0x17: {  	[tilespmem:s23+$0xB4D0] =	vst v0  }
0x18: {  	[tilespmem:s23+$0xB4C0] =	vst v0  }
0x19: {  	[tilespmem:s23+$0xB4A0] =	vst v0  }
0x1a: {  	[tilespmem:s23+$0xB4B0] =	vst v0  }
0x1b: {  	[spmem:s5] =	stream.linear.scatter [tilespmem:s14], [sflag:$0x2], $0x2000, $0x38;
	[tilespmem:$0xD4A0] =	vst v63  }
0x1c: {  	_ =	swait.ge [sflag:s15], $0x2000  }
0x1d: {  	[sflag:s15] =	ssyncset.done $0x0  }
0x1e: {  	[sflag:s15] =	ssyncadd.s32 $0xFFFFE000  }
0x1f: {  	[spmem:s6] =	stream.linear.scatter [tilespmem:s14], [sflag:$0x2], $0x2000, $0x38;
	[tilespmem:$0xD4A0] =	vst v63  }
0x20: {  	_ =	swait.ge [sflag:s15], $0x2000  }
0x21: {  	[sflag:s15] =	ssyncset.done $0x0  }
0x22: {  	[sflag:s15] =	ssyncadd.s32 $0xFFFFE000  }
0x23: {  	[spmem:s7] =	stream.linear.scatter [tilespmem:s14], [sflag:$0x2], $0x2000, $0x38;
	[tilespmem:$0xD4A0] =	vst v63  }
0x24: {  	_ =	swait.ge [sflag:s15], $0x2000  }
0x25: {  	[sflag:s15] =	ssyncset.done $0x0  }
0x26: {  	[sflag:s15] =	ssyncadd.s32 $0xFFFFE000  }
0x27: {  	[spmem:s8] =	stream.linear.scatter [tilespmem:s14], [sflag:$0x2], $0x2000, $0x38;
	[tilespmem:$0xD4A0] =	vst v63  }
0x28: {  	_ =	swait.ge [sflag:s15], $0x2000  }
0x29: {  	[sflag:s15] =	ssyncset.done $0x0  }
0x2a: {  	[sflag:s15] =	ssyncadd.s32 $0xFFFFE000  }
0x2b: {  	[spmem:s9] =	stream.linear.scatter [tilespmem:s14], [sflag:$0x2], $0x2000, $0x38;
	[tilespmem:$0xD4A0] =	vst v63  }
0x2c: {  	_ =	swait.ge [sflag:s15], $0x2000  }
0x2d: {  	[sflag:s15] =	ssyncset.done $0x0  }
0x2e: {  	[sflag:s15] =	ssyncadd.s32 $0xFFFFE000  }
0x2f: {  	s30 =	sadd.s32 $0x0, s13;
	[bflag:$0x0] =	sbarrier.arrive $0xFFFF  }
0x30: {  	[tilespmem:s16], [sflag:$0x2] =	stream.linear.gather [hbm4b:s30+s3], $0x50, $0x38;
	[tilespmem:$0xD4A0] =	vst v63  }
0x31: {  	_ =	swait.ge [sflag:s15], $0x50  }
0x32: {  	[sflag:s15] =	ssyncset.done $0x0  }
0x33: {  	s31 =	sadd.s32 $0x0, s12;
	[sflag:s15] =	ssyncadd.s32 $0xFFFFFFB0  }
0x34: {  	[tilespmem:s17], [sflag:$0x2] =	stream.linear.gather [hbm4b:s31+s3], $0x50, $0x38;
	[tilespmem:$0xD4A0] =	vst v63  }
0x35: {  	_ =	swait.ge [sflag:s15], $0x50  }
0x36: {  	[sflag:s15] =	ssyncset.done $0x0  }
0x37: {  	[sflag:s15] =	ssyncadd.s32 $0xFFFFFFB0  }
0x38: {  	[tilespmem:s19], [sflag:$0x1] =	stream.indirect.gather [hbm4b:s4+s18], $0x40, s16, s18, $0xb8;
	[tilespmem:$0xD4A0] =	vst v63  }
0x39: {  	_ =	swait.ge [sflag:s20], $0x1400  }
0x3a: {  	[sflag:s20] =	ssyncset.done $0x0  }
0x3b: {  	[sflag:s20] =	ssyncadd.s32 $0xFFFFEC00  }
0x3c: {  	[spmem:s2] =	stream.indirect.scatter.add.f32 [tilespmem:s19], [sflag:$0x2], $0x40, s17, s18, $0xb8;
	[tilespmem:$0xD4A0] =	vst v63  }
0x3d: {  	_ =	swait.ge [sflag:s15], $0x1400  }
0x3e: {  	s23 =	simm.s32 $0xA;
	s24 =	simm.s32 $0x14;
	[sflag:s15] =	ssyncset.done $0x0  }
.LBB2_4:
0x3f: {  	s25 =	sadd.s32 s23, s13  }
0x40: {  	[sflag:s15] =	ssyncadd.s32 $0xFFFFEC00;
	s26 =	smov.u32 s24;
	s28 =	sadd.s32 $0xA, s24  }
0x41: {  	[tilespmem:s16], [sflag:$0x2] =	stream.linear.gather [hbm4b:s25+s3], $0x50, $0x38;
	[tilespmem:$0xD4A0] =	vst v63  }
0x42: {  	p0 =	sne.s32 s24, $0x4D8;
	_ =	swait.ge [sflag:s15], $0x50  }
0x43: {  	[sflag:s15] =	ssyncset.done $0x0  }
0x44: {  	s24 =	sadd.s32 s23, s12;
	s23 =	smov.u32 s26;
	[sflag:s15] =	ssyncadd.s32 $0xFFFFFFB0  }
0x45: {  	[tilespmem:s17], [sflag:$0x2] =	stream.linear.gather [hbm4b:s24+s3], $0x50, $0x38;
	[tilespmem:$0xD4A0] =	vst v63  }
0x46: {  	_ =	swait.ge [sflag:s15], $0x50  }
0x47: {  	[sflag:s15] =	ssyncset.done $0x0  }
0x48: {  	[sflag:s15] =	ssyncadd.s32 $0xFFFFFFB0  }
0x49: {  	[tilespmem:s19], [sflag:$0x1] =	stream.indirect.gather [hbm4b:s4+s18], $0x40, s16, s18, $0xb8;
	[tilespmem:$0xD4A0] =	vst v63  }
0x4a: {  	_ =	swait.ge [sflag:s20], $0x1400  }
.Ltmp1:
0x4b: {  	[sflag:s20] =	ssyncset.done $0x0;
	(pc) =	sbr.rel @p0 .LBB2_4-.Ltmp1, $4  }
0x4c: {  	[sflag:s20] =	ssyncadd.s32 $0xFFFFEC00  }
0x4d: {  	[spmem:s2] =	stream.indirect.scatter.add.f32 [tilespmem:s19], [sflag:$0x2], $0x40, s17, s18, $0xb8;
	[tilespmem:$0xD4A0] =	vst v63  }
0x4e: {  	_ =	swait.ge [sflag:s15], $0x1400  }
0x4f: {  	s24 =	smov.u32 s28;
	[sflag:s15] =	ssyncset.done $0x0  }
0x50: {  	s24 =	sadd.s32 s23, s13;
	[sflag:s15] =	ssyncadd.s32 $0xFFFFEC00  }
0x51: {  	[tilespmem:s16], [sflag:$0x2] =	stream.linear.gather [hbm4b:s24+s3], $0x50, $0x38;
	[tilespmem:$0xD4A0] =	vst v63  }
0x52: {  	_ =	swait.ge [sflag:s15], $0x50  }
0x53: {  	[sflag:s15] =	ssyncset.done $0x0  }
0x54: {  	s30 =	sadd.s32 s23, s12;
	[sflag:s15] =	ssyncadd.s32 $0xFFFFFFB0  }
0x55: {  	[tilespmem:s17], [sflag:$0x2] =	stream.linear.gather [hbm4b:s30+s3], $0x50, $0x38;
	[tilespmem:$0xD4A0] =	vst v63  }
0x56: {  	_ =	swait.ge [sflag:s15], $0x50  }
0x57: {  	[sflag:s15] =	ssyncset.done $0x0  }
0x58: {  	[sflag:s15] =	ssyncadd.s32 $0xFFFFFFB0  }
0x59: {  	[tilespmem:s19], [sflag:$0x1] =	stream.indirect.gather [hbm4b:s4+s18], $0x40, s16, s18, $0xb8;
	[tilespmem:$0xD4A0] =	vst v63  }
0x5a: {  	_ =	swait.ge [sflag:s20], $0x1400  }
0x5b: {  	[sflag:s20] =	ssyncset.done $0x0  }
0x5c: {  	[sflag:s20] =	ssyncadd.s32 $0xFFFFEC00  }
0x5d: {  	[spmem:s2] =	stream.indirect.scatter.add.f32 [tilespmem:s19], [sflag:$0x2], $0x40, s17, s18, $0xb8;
	[tilespmem:$0xD4A0] =	vst v63  }
0x5e: {  	_ =	swait.ge [sflag:s15], $0x1400  }
0x5f: {  	s22 =	sadd.s32 $0x1, s22;
	[sflag:s15] =	ssyncset.done $0x0  }
0x60: {  	p0 =	sne.s32 s22, s11;
	[sflag:s15] =	ssyncadd.s32 $0xFFFFEC00  }
.Ltmp2:
0x61: {  	s31 =	sshrl.u32 s5, $0x3;
	[bflag:$0x0] =	sbarrier.arrive $0xFFFF;
	(pc) =	sbr.rel @p0 .LBB2_1-.Ltmp2, $4  }
0x62: {  	[hbm:s10], [sflag:s21] =	dma.local [spmem:s31], $0x1400  }
0x63: {  	_ =	swait.ge [sflag:s15], $0x1400  }
0x64: {  	[sflag:s15] =	ssyncset.done $0x0  }
0x65: {  	[sflag:s15] =	ssyncadd.s32 $0xFFFFEC00  }
0x66: {  	_ =	sfence.sel $0x180000  }
0x67: {  	[bflag:$0x0] =	sbarrier.arrive $0xFFFF  }
0x68: {  	p0 =	sne.s32 s0, $0x0;
	_ =	strace $0x9000004D  }
0x69: {  	s0 =	sadd.s32 @!p0 $0x100000, s1;
	[bflag:$0x2] =	sbarrier.arrive $0xFFFF  }
0x6a: {  	[sflag:s0] =	ssyncadd.tile.s32 @!p0 $0x1;
	_ =	shalt  }
.Lfunc_end2:
_tile_overlayer_lowered:
.L_overlay_start_2:
0x6b: {  	(tag) =	ssettag $0x2  }
0x6c: {  	s0 =	rddreg [dreg:$0x0];
	s2 =	stileid.u32  }
0x6d: {  	s1 =	rddreg [dreg:$0x1];
	p0 =	sne.s32 s2, $0x0  }
0x6e: {  	s3 =	rddreg [dreg:$0x2];
	[bflag:$0x3] =	sbarrier.arrive $0xFFFF;
	s2 =	simm.s32 @!p0 $0x1C02  }
0x6f: {  	[timem:s3], [sflag:s2] =	dma.local @!p0 [hbm:s0], s1  }
0x70: {  	s0 =	simm.s32 @!p0 $0x2  }
0x71: {  	_ =	swait.ge @!p0 [sflag:s0], s1  }
0x72: {  	s1 =	ssub.s32 @!p0 $0x0, s1;
	[sflag:s0] =	ssyncset.done @!p0 $0x0  }
0x73: {  	[sflag:s0] =	ssyncadd.s32 @!p0 s1  }
0x74: {  	[bflag:$0x3] =	sbarrier.arrive $0xFFFF  }
0x75: {  	_ =	shalt  }

// kernel: kernel.18.cloned.1.call-start
scs
__scs_entry_jumppad:
0x0: {  	(pc) =	sbr.rel $0x88, $3  }
0x1: {  	(tag) =	ssettag $0x0;
	lr =	simm.s32 $0x1  }
0x2: {  	[smem:$0x3F9A] =	sst lr;
	_ =	strace $0xD0000000  }
0x3: {  	_ = 	snop  }
0x4: {  	_ = 	snop  }
0x5: {  	_ = 	snop  }
0x6: {  	_ = 	snop  }
0x7: {  	_ = 	snop  }
__scs_overlays_trampoline_lowered:
0x8: {  	[smem:$0x3FA9] =	sst s0  }
0x9: {  	[smem:$0x3FAA] =	sst s1  }
0xa: {  	[smem:$0x3FAB] =	sst s2  }
0xb: {  	[smem:$0x3FAC] =	sst s3  }
0xc: {  	[smem:$0x3FAD] =	sst s4  }
0xd: {  	[smem:$0x3FAE] =	sst s5  }
0xe: {  	[smem:$0x3FAF] =	sst s6  }
0xf: {  	[smem:$0x3FB0] =	sst s7  }
0x10: {  	[smem:$0x3FB1] =	sst s8  }
0x11: {  	[smem:$0x3FB2] =	sst s9;
	s0 =	simm.s32 @!p0 $0x0  }
0x12: {  	s1 =	sld [smem:$0x3F98];
	s0 =	simm.s32 @p0 $0x1  }
0x13: {  	[smem:$0x3FB3] =	sst s0;
	s0 =	simm.s32 @!p1 $0x0  }
0x14: {  	s2 =	sld [smem:$0x3F97];
	s0 =	simm.s32 @p1 $0x1  }
0x15: {  	[smem:$0x3FB4] =	sst s0;
	s0 =	simm.s32 @!p2 $0x0  }
0x16: {  	s3 =	sld [smem:$0x3FDB];
	s0 =	simm.s32 @p2 $0x1  }
0x17: {  	s4 =	simm.s32 $0x1BF5;
	[smem:$0x3FB6] =	sst s0  }
0x18: {  	s0 =	sld [smem:$0x3F99];
	_ =	swait.ge [sflag:s4], $0x0  }
0x19: {  	s7 =	sld [smem:$0x3F9A]  }
0x1a: {  	s8 =	sadd.s32 $0xFFFFE003, lr  }
0x1b: {  	s9 =	sadd.s32 $0xFFFFFEF7, lr;
	s5 =	simm.s32 $0xFFFFFFFF;
	p2 =	slt.u32 s8, $0xFFFFF086  }
0x1c: {  	p1 =	slt.u32 s9, $0xF7A;
	s5 =	simm.s32 @!p2 $0x0  }
0x1d: {  	s5 =	simm.s32 @p1 $0x1;
	p0 =	seq.s32 s7, s2  }
0x1e: {  	s7 =	smul.u32 @!p0 $0xF7A, s2;
	p2 =	seq.s32 @!p0 s5, $0x0  }
0x1f: {  	s9 =	smul.u32 $0xF7A, s1;
	s8 =	simm.s32 @!p0 $0x1BF5;
	p2 =	por !p2, p0  }
0x20: {  	[sflag:s8] =	ssyncset.s32 @!p0 $0xFFFFF086;
	s6 =	sadd.s32 @!p0 s3, s7;
	s7 =	simm.s32 @!p0 $0x108  }
0x21: {  	s3 =	sadd.s32 s3, s9;
	s6 =	sadd.s32 @!p0 $0x88, s6;
	s7 =	simm.s32 @p2 $0x1082  }
0x22: {  	[simem:s7], [sflag:s8] =	dma.local @!p0 [hbm:s6], $0xF7A  }
0x23: {  	s9 =	sor.u32 $0xD0000000, s2;
	s6 =	simm.s32 $0x108;
	_ =	swait.ge @!p0 [sflag:s8], $0x0  }
0x24: {  	s3 =	sadd.s32 $0x88, s3;
	s6 =	simm.s32 @!p1 $0x1082;
	[sflag:s4] =	ssyncset.s32 $0xFFFFF086  }
0x25: {  	[simem:s6], [sflag:s4] =	dma.local [hbm:s3], $0xF7A  }
0x26: {  	[smem:$0x3F9A] =	sst s1;
	(tag) =	ssettag s2;
	_ =	strace s9  }
0x27: {  	s1 =	sld [smem:$0x3FAA]  }
0x28: {  	s2 =	sld [smem:$0x3FAB]  }
0x29: {  	s4 =	sld [smem:$0x3FAD]  }
0x2a: {  	p0 =	seq.s32 s5, $0x0;
	s5 =	sld [smem:$0x3FAE]  }
0x2b: {  	s6 =	sld [smem:$0x3FAF]  }
0x2c: {  	s7 =	sld [smem:$0x3FB0]  }
0x2d: {  	s3 =	simm.s32 $0x108;
	s8 =	sld [smem:$0x3FB1]  }
0x2e: {  	s3 =	simm.s32 @!p0 $0x1082;
	s9 =	sld [smem:$0x3FB2]  }
0x2f: {  	lr =	sadd.s32 s0, s3;
	s0 =	sld [smem:$0x3FA9]  }
0x30: {  	s3 =	sld [smem:$0x3FAC]  }
0x31: {  	[smem:$0x3FB5] =	sst s10  }
0x32: {  	s10 =	sld [smem:$0x3FB3];
	_ =	sdelay $0x3  }
0x33: {  	p0 =	seq.s32 s10, $0x1;
	s10 =	sld [smem:$0x3FB5];
	_ =	sdelay $0x3  }
0x34: {  	[smem:$0x3FB5] =	sst s10  }
0x35: {  	s10 =	sld [smem:$0x3FB4];
	_ =	sdelay $0x3  }
0x36: {  	p1 =	seq.s32 s10, $0x1;
	s10 =	sld [smem:$0x3FB5];
	_ =	sdelay $0x3  }
0x37: {  	[smem:$0x3FB5] =	sst s10  }
0x38: {  	s10 =	sld [smem:$0x3FB6]  }
0x39: {  	_ = 	snop;
	(pc) =	sbr.ind lr, $3  }
0x3a: {  	_ = 	snop  }
0x3b: {  	_ = 	snop  }
0x3c: {  	p2 =	seq.s32 s10, $0x1;
	s10 =	sld [smem:$0x3FB5]  }
0x3d: {  	_ =	shalt  }
0x3e: {  	_ =	shalt  }
0x3f: {  	_ =	shalt  }
0x40: {  	_ =	shalt  }
0x41: {  	_ =	shalt  }
0x42: {  	_ =	shalt  }
0x43: {  	_ =	shalt  }
0x44: {  	_ =	shalt  }
0x45: {  	_ =	shalt  }
0x46: {  	_ =	shalt  }
0x47: {  	_ =	shalt  }
0x48: {  	_ =	shalt  }
0x49: {  	_ =	shalt  }
0x4a: {  	_ =	shalt  }
0x4b: {  	_ =	shalt  }
0x4c: {  	_ =	shalt  }
0x4d: {  	_ =	shalt  }
0x4e: {  	_ =	shalt  }
0x4f: {  	_ =	shalt  }
0x50: {  	_ =	shalt  }
0x51: {  	_ =	shalt  }
0x52: {  	_ =	shalt  }
0x53: {  	_ =	shalt  }
0x54: {  	_ =	shalt  }
0x55: {  	_ =	shalt  }
0x56: {  	_ =	shalt  }
0x57: {  	_ =	shalt  }
0x58: {  	_ =	shalt  }
0x59: {  	_ =	shalt  }
0x5a: {  	_ =	shalt  }
0x5b: {  	_ =	shalt  }
0x5c: {  	_ =	shalt  }
0x5d: {  	_ =	shalt  }
0x5e: {  	_ =	shalt  }
0x5f: {  	_ =	shalt  }
0x60: {  	_ =	shalt  }
0x61: {  	_ =	shalt  }
0x62: {  	_ =	shalt  }
0x63: {  	_ =	shalt  }
0x64: {  	_ =	shalt  }
0x65: {  	_ =	shalt  }
0x66: {  	_ =	shalt  }
0x67: {  	_ =	shalt  }
0x68: {  	_ =	shalt  }
0x69: {  	_ =	shalt  }
0x6a: {  	_ =	shalt  }
0x6b: {  	_ =	shalt  }
0x6c: {  	_ =	shalt  }
0x6d: {  	_ =	shalt  }
0x6e: {  	_ =	shalt  }
0x6f: {  	_ =	shalt  }
0x70: {  	_ =	shalt  }
0x71: {  	_ =	shalt  }
0x72: {  	_ =	shalt  }
0x73: {  	_ =	shalt  }
0x74: {  	_ =	shalt  }
0x75: {  	_ =	shalt  }
0x76: {  	_ =	shalt  }
0x77: {  	_ =	shalt  }
0x78: {  	_ =	shalt  }
0x79: {  	_ =	shalt  }
0x7a: {  	_ =	shalt  }
0x7b: {  	_ =	shalt  }
0x7c: {  	_ =	shalt  }
0x7d: {  	_ =	shalt  }
0x7e: {  	_ =	shalt  }
0x7f: {  	_ =	shalt  }
0x80: {  	_ =	shalt  }
0x81: {  	_ =	shalt  }
0x82: {  	_ =	shalt  }
0x83: {  	_ =	shalt  }
0x84: {  	_ =	shalt  }
0x85: {  	_ =	shalt  }
0x86: {  	_ =	shalt  }
0x87: {  	_ =	shalt  }
.Lfunc_end0:
.L_simem_size_0:
called_computation.3_lowered:
.L_overlay_start_0:
0x88: {  	s2 =	sld [smem:$0x3FD9]  }
0x89: {  	s3 =	sld [smem:$0x3FFE];
	_ =	sdelay $0x1  }
0x8a: {  	s1 =	srdreg.scid  }
0x8b: {  	s0 =	sand.u32 $0x1, s1  }
0x8c: {  	s17 =	sshll.u32 s0, $0xA;
	s2 =	sadd.s32 s3, s2  }
0x8d: {  	s2 =	sadd.s32 s2, s17  }
0x8e: {  	[smem:$0x3FC1] =	sst s2  }
0x8f: {  	_ = 	snop  }
0x90: {  	s2 =	sld [smem:$0x3FD0];
	(tm) =	ssettm $0x1  }
0x91: {  	s18 =	sld [smem:$0x3FFB];
	_ =	sdelay $0x3  }
0x92: {  	_ =	strace s18  }
0x93: {  	s3 =	sld [smem:$0x3FFC];
	_ =	sdelay $0x3  }
0x94: {  	_ =	strace s3  }
0x95: {  	s3 =	sld [smem:$0x3FFD];
	_ =	sdelay $0x3  }
0x96: {  	_ =	strace s3  }
0x97: {  	_ =	strace $0x8FFFFFFF  }
0x98: {  	s19 =	sld [smem:$0x3FDB];
	_ =	sdelay $0x1  }
0x99: {  	s4 =	simm.s32 $_scs_section_size  }
0x9a: {  	s5 =	simm.s32 $_size__tile_overlayer_lowered;
	s6 =	simm.s32 $_tile_overlayer_lowered  }
0x9b: {  	s22 =	simm.s32 $0x1BFF;
	s21 =	sshll.u32 s6, $0x1;
	s3 =	sadd.s32 s4, s19  }
0x9c: {  	s7 =	simm.s32 $0x0;
	s20 =	sshll.u32 s5, $0x1;
	s5 =	sadd.s32 s21, s3  }
0x9d: {  	[timem:s7], [sflag:s22] =	dma.local [hbm:s5], s20  }
0x9e: {  	_ =	swait.ge [sflag:s22], s20  }
0x9f: {  	s4 =	ssub.s32 $0x0, s20;
	[sflag:s22] =	ssyncset.done $0x0  }
0xa0: {  	[sflag:s22] =	ssyncadd.s32 s4;
	_ =	sdelay $0x1  }
0xa1: {  	s23 =	simm.s32 $0x1B8B  }
0xa2: {  	_ =	swait.ge [sflag:s23], $0x1  }
0xa3: {  	[sflag:s23] =	ssyncset.done $0x0  }
0xa4: {  	s25 =	simm.s32 $0x1B8E;
	s24 =	sld [smem:$0x3FFE];
	[sflag:s23] =	ssyncadd.s32 $0xFFFFFFFF  }
0xa5: {  	s26 =	simm.s32 $execute0_lowered;
	[smem:$0x3FD2] =	sst s25  }
0xa6: {  	s5 =	sshll.u32 s26, $0x1;
	_ =	strace $0x8000004F;
	[dreg:$0x1] =	wrdreg $0xFFFFFFFF  }
0xa7: {  	s28 =	simm.s32 $_size_execute0_lowered;
	s3 =	sadd.s32 s3, s5;
	[dreg:$0x0] =	wrdreg $0x0  }
0xa8: {  	s5 =	sshll.u32 s28, $0x1;
	[dreg:$0x2] =	wrdreg s3  }
0xa9: {  	[dreg:$0x3] =	wrdreg s5  }
0xaa: {  	[dreg:$0x4] =	wrdreg $0xC0  }
0xab: {  	_ =	task [dreg:s7], $0x5FFFF  }
0xac: {  	[dreg:$0x1] =	wrdreg $0xFFFFFFFF  }
0xad: {  	[dreg:$0x0] =	wrdreg $0x60  }
0xae: {  	[dreg:$0x2] =	wrdreg s24  }
0xaf: {  	[dreg:$0x3] =	wrdreg s2  }
0xb0: {  	[dreg:$0x4] =	wrdreg $0x9  }
0xb1: {  	_ =	task.clear_ibuf [dreg:s7], $0x5FFFF;
	_ =	strace $0x9000004F  }
0xb2: {  	s29 =	simm.s32 $0x9;
	_ =	strace $0x80000051  }
0xb3: {  	_ =	swait.ge [sflag:s29], $0x1  }
0xb4: {  	[sflag:s29] =	ssyncadd.s32 $0xFFFFFFFF  }
0xb5: {  	_ =	strace $0x90000051  }
0xb6: {  	_ =	sfence  }
0xb7: {  	s30 =	sld [smem:$0x0];
	_ =	sdelay $0x2  }
0xb8: {  	s31 =	sshll.u32 s1, $0xD;
	s1 =	sshrl.u32 s1, $0x2  }
0xb9: {  	s3 =	sand.u32 $0x4000, s31;
	s1 =	sadd.s32 s1, s30  }
0xba: {  	s0 =	sor.u32 s3, s0;
	s1 =	sshll.u32 s1, $0x11  }
0xbb: {  	s0 =	sor.u32 s1, s0  }
0xbc: {  	s0 =	sadd.s32 $0x8F2B, s0  }
0xbd: {  	[sflag:s0] =	ssyncadd.remote.s32 $0x1  }
0xbe: {  	_ =	sfence.sel $0xFFFF  }
0xbf: {  	[dreg:$0x0] =	wrdreg $0xFFFFFFFF;
	(pc) =	sbr.abs _section_cstart, $3  }
0xc0: {  	[dreg:$0x1] =	wrdreg $0xFFFFFFFF  }
0xc1: {  	_ =	task.clear_ibuf [dreg:s7], $0x2FFFF;
	_ =	strace $0x9FFFFFFF  }
0xc2: {  	(tm) =	ssettm $0x7FFFFFFF  }
0xc3: {  	_ =	shalt  }
tec
execute0_lowered:
.L_overlay_start_1:
0x0: {  	(tag) =	ssettag $0x1  }
0x1: {  	s6 =	rddreg [dreg:$0x0]  }
0x2: {  	s1 =	rddreg [dreg:$0x1]  }
0x3: {  	s0 =	rddreg [dreg:$0x2];
	s2 =	simm.s32 $0x0  }
0x4: {  	s3 =	srdreg.scid;
	s10 =	simm.s32 $0x3;
	s11 =	simm.s32 $0x2180  }
0x5: {  	s12 =	simm.s32 $0x180;
	s13 =	simm.s32 $0x1;
	s14 =	simm.s32 $0x2  }
0x6: {  	v0 =	vlaneseq.u32;
	s15 =	simm.s32 $0x100;
	s16 =	simm.s32 $0x0;
	s20 =	simm.s32 $0x0  }
0x7: {  	[smem:$0x7FF] =	sst s2;
	s4 =	sadd.s32 $0x1E00, s6;
	s5 =	sand.u32 $0x1, s3;
	v1 =	vmul.u32 $0x40, v0  }
0x8: {  	s3 =	stileid.u32;
	_ =	strace $0x80000050;
	s7 =	ssub.s32 $0x2, s5  }
0x9: {  	s8 =	sshll.u32 s5, $0x4;
	s5 =	sadd.s32 $0x2F600, s6;
	s9 =	sshrl.u32 s7, $0x1;
	v2 =	vor.u32 $0x400, v1  }
0xa: {  	s6 =	sadd.s32 $0x29400, s6;
	s8 =	sor.u32 s3, s8;
	v3 =	vor.u32 $0x800, v1;
	v4 =	vor.u32 $0xC00, v1;
	v5 =	vor.u32 $0x1000, v1;
	s9 =	ssub.s32 s7, s9  }
0xb: {  	v6 =	vor.u32 $0x1400, v1;
	v7 =	vor.u32 $0x1800, v1;
	v8 =	vor.u32 $0x1C00, v1;
	s7 =	smul.u32 $0x1880, s8;
	s8 =	smax.u32 s9, $0x1;
	s9 =	simm.s32 $0x80  }
.LBB2_1:
0xc: {  	s17 =	simm.s32 $0x0  }
.LBB2_2:
0xd: {  	s18 =	sshll.u32 s17, $0x7  }
0xe: {  	s18 =	sadd.s32 s7, s18  }
0xf: {  	s18 =	sshrl.u32 s18, $0x3  }
0x10: {  	s19 =	sadd.s32 s5, s18  }
0x11: {  	[tilespmem:s9], [sflag:$0x3] =	stream.linear.gather [hbm4b:s19+s20], $0x80, $0x38;
	[tilespmem:$0x4180] =	vst v63  }
0x12: {  	_ =	swait.ge [sflag:s10], $0x80  }
0x13: {  	[sflag:s10] =	ssyncset.done $0x0  }
0x14: {  	s30 =	sadd.s32 s6, s18;
	[sflag:s10] =	ssyncadd.s32 $0xFFFFFF80  }
0x15: {  	[tilespmem:s20], [sflag:$0x3] =	stream.linear.gather [hbm4b:s30+s20], $0x80, $0x38;
	[tilespmem:$0x4180] =	vst v63  }
0x16: {  	_ =	swait.ge [sflag:s10], $0x80  }
0x17: {  	[sflag:s10] =	ssyncset.done $0x0  }
0x18: {  	[sflag:s10] =	ssyncadd.s32 $0xFFFFFF80  }
0x19: {  	[tilespmem:s11], [sflag:$0x1] =	stream.indirect.gather [hbm4b:s4+s9], $0x40, s9, s9, $0xb8;
	[tilespmem:$0x4180] =	vst v63  }
0x1a: {  	_ = 	snop  }
0x1b: {  	v9 =	vadd.s32 s20, v0;
	[tilespmem:s12], [sflag:$0x2] =	stream.indirect.gather [hbm4b:s4+s9], $0x40, s20, s9, $0xb8;
	[tilespmem:$0x4180] =	vst v63  }
0x1c: {  	v9 =	vand.u32 $0x3F, v9;
	_ =	swait.ge [sflag:s13], $0x2000  }
0x1d: {  	v11 =	vor.u32 v1, v9;
	[sflag:s13] =	ssyncset.done $0x0  }
0x1e: {  	[sflag:s13] =	ssyncadd.s32 $0xFFFFE000  }
0x1f: {  	s31 =	simm.s32 $0x1;
	_ =	swait.ge [sflag:s14], $0x2000  }
0x20: {  	v9 =	vadd.s32 s31, v0;
	[sflag:s14] =	ssyncset.done $0x0  }
0x21: {  	v12 =	vand.u32 $0x3F, v9;
	[sflag:s14] =	ssyncadd.s32 $0xFFFFE000  }
0x22: {  	v12 =	vor.u32 v1, v12;
	v10 =	vld.idx.msk [tilespmem:v11+s11+$0x0], $0xffff  }
0x23: {  	v11 =	vld.idx.msk [tilespmem:v11+s12+$0x0], $0xffff  }
0x24: {  	v9 =	vimm.f32 $0.0e+00;
	s19 =	simm.s32 $0x2  }
.LBB2_3:
0x25: {  	p0 =	sne.s32 s19, $0x3F  }
.Ltmp0:
0x26: {  	v13 =	vadd.s32 s19, v0;
	(pc) =	sbr.rel @p0 .LBB2_3-.Ltmp0, $3  }
0x27: {  	s19 =	sadd.s32 $0x1, s19;
	v13 =	vand.u32 $0x3F, v13;
	v14 =	vmov v10;
	v10 =	vld.idx.msk [tilespmem:v12+s11+$0x0], $0xffff  }
0x28: {  	v14 =	vmul.f32 v11, v14;
	v11 =	vld.idx.msk [tilespmem:v12+s12+$0x0], $0xffff;
	v12 =	vor.u32 v1, v13;
	_ =	sdelay $0x1  }
0x29: {  	v9 =	vadd.f32 v14, v9  }
0x2a: {  	_ =	sdelay $0x3  }
0x2b: {  	v13 =	vld.idx.msk [tilespmem:v12+s11+$0x0], $0xffff  }
0x2c: {  	v12 =	vld.idx.msk [tilespmem:v12+s12+$0x0], $0xffff;
	_ =	sdelay $0x2  }
0x2d: {  	s19 =	simm.s32 $0x0;
	v10 =	vmul.f32 v11, v10  }
0x2e: {  	v11 =	vadd.s32 s19, v0  }
0x2f: {  	v11 =	vand.u32 $0x3F, v11;
	v9 =	vadd.f32 v10, v9;
	v10 =	vmul.f32 v12, v13  }
0x30: {  	v11 =	vor.u32 v2, v11  }
0x31: {  	v9 =	vadd.f32 v10, v9  }
0x32: {  	s31 =	simm.s32 $0x1  }
0x33: {  	[tilespmem:$0x100] =	vst v9;
	v9 =	vadd.s32 s31, v0  }
0x34: {  	v12 =	vand.u32 $0x3F, v9  }
0x35: {  	v10 =	vld.idx.msk [tilespmem:v11+s11+$0x0], $0xffff;
	v12 =	vor.u32 v2, v12  }
0x36: {  	v11 =	vld.idx.msk [tilespmem:v11+s12+$0x0], $0xffff  }
0x37: {  	s19 =	simm.s32 $0x2;
	v9 =	vimm.f32 $0.0e+00  }
.LBB2_5:
0x38: {  	p0 =	sne.s32 s19, $0x3F  }
.Ltmp1:
0x39: {  	v13 =	vadd.s32 s19, v0;
	(pc) =	sbr.rel @p0 .LBB2_5-.Ltmp1, $3  }
0x3a: {  	s19 =	sadd.s32 $0x1, s19;
	v13 =	vand.u32 $0x3F, v13;
	v14 =	vmov v10;
	v10 =	vld.idx.msk [tilespmem:v12+s11+$0x0], $0xffff  }
0x3b: {  	v14 =	vmul.f32 v11, v14;
	v11 =	vld.idx.msk [tilespmem:v12+s12+$0x0], $0xffff;
	v12 =	vor.u32 v2, v13;
	_ =	sdelay $0x1  }
0x3c: {  	v9 =	vadd.f32 v14, v9  }
0x3d: {  	_ =	sdelay $0x3  }
0x3e: {  	v13 =	vld.idx.msk [tilespmem:v12+s11+$0x0], $0xffff  }
0x3f: {  	v12 =	vld.idx.msk [tilespmem:v12+s12+$0x0], $0xffff;
	_ =	sdelay $0x2  }
0x40: {  	s19 =	simm.s32 $0x0;
	v10 =	vmul.f32 v11, v10  }
0x41: {  	v11 =	vadd.s32 s19, v0  }
0x42: {  	v11 =	vand.u32 $0x3F, v11;
	v9 =	vadd.f32 v10, v9;
	v10 =	vmul.f32 v12, v13  }
0x43: {  	v11 =	vor.u32 v3, v11  }
0x44: {  	v9 =	vadd.f32 v10, v9  }
0x45: {  	s31 =	simm.s32 $0x1  }
0x46: {  	[tilespmem:$0x110] =	vst v9;
	v9 =	vadd.s32 s31, v0  }
0x47: {  	v12 =	vand.u32 $0x3F, v9  }
0x48: {  	v10 =	vld.idx.msk [tilespmem:v11+s11+$0x0], $0xffff;
	v12 =	vor.u32 v3, v12  }
0x49: {  	v11 =	vld.idx.msk [tilespmem:v11+s12+$0x0], $0xffff  }
0x4a: {  	s19 =	simm.s32 $0x2;
	v9 =	vimm.f32 $0.0e+00  }
.LBB2_7:
0x4b: {  	p0 =	sne.s32 s19, $0x3F  }
.Ltmp2:
0x4c: {  	v13 =	vadd.s32 s19, v0;
	(pc) =	sbr.rel @p0 .LBB2_7-.Ltmp2, $3  }
0x4d: {  	s19 =	sadd.s32 $0x1, s19;
	v13 =	vand.u32 $0x3F, v13;
	v14 =	vmov v10;
	v10 =	vld.idx.msk [tilespmem:v12+s11+$0x0], $0xffff  }
0x4e: {  	v14 =	vmul.f32 v11, v14;
	v11 =	vld.idx.msk [tilespmem:v12+s12+$0x0], $0xffff;
	v12 =	vor.u32 v3, v13;
	_ =	sdelay $0x1  }
0x4f: {  	v9 =	vadd.f32 v14, v9  }
0x50: {  	_ =	sdelay $0x3  }
0x51: {  	v13 =	vld.idx.msk [tilespmem:v12+s11+$0x0], $0xffff  }
0x52: {  	v12 =	vld.idx.msk [tilespmem:v12+s12+$0x0], $0xffff;
	_ =	sdelay $0x2  }
0x53: {  	s19 =	simm.s32 $0x0;
	v10 =	vmul.f32 v11, v10  }
0x54: {  	v11 =	vadd.s32 s19, v0  }
0x55: {  	v11 =	vand.u32 $0x3F, v11;
	v9 =	vadd.f32 v10, v9;
	v10 =	vmul.f32 v12, v13  }
0x56: {  	v11 =	vor.u32 v4, v11  }
0x57: {  	v9 =	vadd.f32 v10, v9  }
0x58: {  	s31 =	simm.s32 $0x1  }
0x59: {  	[tilespmem:$0x120] =	vst v9;
	v9 =	vadd.s32 s31, v0  }
0x5a: {  	v12 =	vand.u32 $0x3F, v9  }
0x5b: {  	v10 =	vld.idx.msk [tilespmem:v11+s11+$0x0], $0xffff;
	v12 =	vor.u32 v4, v12  }
0x5c: {  	v11 =	vld.idx.msk [tilespmem:v11+s12+$0x0], $0xffff  }
0x5d: {  	s19 =	simm.s32 $0x2;
	v9 =	vimm.f32 $0.0e+00  }
.LBB2_9:
0x5e: {  	p0 =	sne.s32 s19, $0x3F  }
.Ltmp3:
0x5f: {  	v13 =	vadd.s32 s19, v0;
	(pc) =	sbr.rel @p0 .LBB2_9-.Ltmp3, $3  }
0x60: {  	s19 =	sadd.s32 $0x1, s19;
	v13 =	vand.u32 $0x3F, v13;
	v14 =	vmov v10;
	v10 =	vld.idx.msk [tilespmem:v12+s11+$0x0], $0xffff  }
0x61: {  	v14 =	vmul.f32 v11, v14;
	v11 =	vld.idx.msk [tilespmem:v12+s12+$0x0], $0xffff;
	v12 =	vor.u32 v4, v13;
	_ =	sdelay $0x1  }
0x62: {  	v9 =	vadd.f32 v14, v9  }
0x63: {  	_ =	sdelay $0x3  }
0x64: {  	v13 =	vld.idx.msk [tilespmem:v12+s11+$0x0], $0xffff  }
0x65: {  	v12 =	vld.idx.msk [tilespmem:v12+s12+$0x0], $0xffff;
	_ =	sdelay $0x2  }
0x66: {  	s19 =	simm.s32 $0x0;
	v10 =	vmul.f32 v11, v10  }
0x67: {  	v11 =	vadd.s32 s19, v0  }
0x68: {  	v11 =	vand.u32 $0x3F, v11;
	v9 =	vadd.f32 v10, v9;
	v10 =	vmul.f32 v12, v13  }
0x69: {  	v11 =	vor.u32 v5, v11  }
0x6a: {  	v9 =	vadd.f32 v10, v9  }
0x6b: {  	s31 =	simm.s32 $0x1  }
0x6c: {  	[tilespmem:$0x130] =	vst v9;
	v9 =	vadd.s32 s31, v0  }
0x6d: {  	v12 =	vand.u32 $0x3F, v9  }
0x6e: {  	v10 =	vld.idx.msk [tilespmem:v11+s11+$0x0], $0xffff;
	v12 =	vor.u32 v5, v12  }
0x6f: {  	v11 =	vld.idx.msk [tilespmem:v11+s12+$0x0], $0xffff  }
0x70: {  	s19 =	simm.s32 $0x2;
	v9 =	vimm.f32 $0.0e+00  }
.LBB2_11:
0x71: {  	p0 =	sne.s32 s19, $0x3F  }
.Ltmp4:
0x72: {  	v13 =	vadd.s32 s19, v0;
	(pc) =	sbr.rel @p0 .LBB2_11-.Ltmp4, $3  }
0x73: {  	s19 =	sadd.s32 $0x1, s19;
	v13 =	vand.u32 $0x3F, v13;
	v14 =	vmov v10;
	v10 =	vld.idx.msk [tilespmem:v12+s11+$0x0], $0xffff  }
0x74: {  	v14 =	vmul.f32 v11, v14;
	v11 =	vld.idx.msk [tilespmem:v12+s12+$0x0], $0xffff;
	v12 =	vor.u32 v5, v13;
	_ =	sdelay $0x1  }
0x75: {  	v9 =	vadd.f32 v14, v9  }
0x76: {  	_ =	sdelay $0x3  }
0x77: {  	v13 =	vld.idx.msk [tilespmem:v12+s11+$0x0], $0xffff  }
0x78: {  	v12 =	vld.idx.msk [tilespmem:v12+s12+$0x0], $0xffff;
	_ =	sdelay $0x2  }
0x79: {  	s19 =	simm.s32 $0x0;
	v10 =	vmul.f32 v11, v10  }
0x7a: {  	v11 =	vadd.s32 s19, v0  }
0x7b: {  	v11 =	vand.u32 $0x3F, v11;
	v9 =	vadd.f32 v10, v9;
	v10 =	vmul.f32 v12, v13  }
0x7c: {  	v11 =	vor.u32 v6, v11  }
0x7d: {  	v9 =	vadd.f32 v10, v9  }
0x7e: {  	s31 =	simm.s32 $0x1  }
0x7f: {  	[tilespmem:$0x140] =	vst v9;
	v9 =	vadd.s32 s31, v0  }
0x80: {  	v12 =	vand.u32 $0x3F, v9  }
0x81: {  	v10 =	vld.idx.msk [tilespmem:v11+s11+$0x0], $0xffff;
	v12 =	vor.u32 v6, v12  }
0x82: {  	v11 =	vld.idx.msk [tilespmem:v11+s12+$0x0], $0xffff  }
0x83: {  	s19 =	simm.s32 $0x2;
	v9 =	vimm.f32 $0.0e+00  }
.LBB2_13:
0x84: {  	p0 =	sne.s32 s19, $0x3F  }
.Ltmp5:
0x85: {  	v13 =	vadd.s32 s19, v0;
	(pc) =	sbr.rel @p0 .LBB2_13-.Ltmp5, $3  }
0x86: {  	s19 =	sadd.s32 $0x1, s19;
	v13 =	vand.u32 $0x3F, v13;
	v14 =	vmov v10;
	v10 =	vld.idx.msk [tilespmem:v12+s11+$0x0], $0xffff  }
0x87: {  	v14 =	vmul.f32 v11, v14;
	v11 =	vld.idx.msk [tilespmem:v12+s12+$0x0], $0xffff;
	v12 =	vor.u32 v6, v13;
	_ =	sdelay $0x1  }
0x88: {  	v9 =	vadd.f32 v14, v9  }
0x89: {  	_ =	sdelay $0x3  }
0x8a: {  	v13 =	vld.idx.msk [tilespmem:v12+s11+$0x0], $0xffff  }
0x8b: {  	v12 =	vld.idx.msk [tilespmem:v12+s12+$0x0], $0xffff;
	_ =	sdelay $0x2  }
0x8c: {  	s19 =	simm.s32 $0x0;
	v10 =	vmul.f32 v11, v10  }
0x8d: {  	v11 =	vadd.s32 s19, v0  }
0x8e: {  	v11 =	vand.u32 $0x3F, v11;
	v9 =	vadd.f32 v10, v9;
	v10 =	vmul.f32 v12, v13  }
0x8f: {  	v11 =	vor.u32 v7, v11  }
0x90: {  	v9 =	vadd.f32 v10, v9  }
0x91: {  	s31 =	simm.s32 $0x1  }
0x92: {  	[tilespmem:$0x150] =	vst v9;
	v9 =	vadd.s32 s31, v0  }
0x93: {  	v12 =	vand.u32 $0x3F, v9  }
0x94: {  	v10 =	vld.idx.msk [tilespmem:v11+s11+$0x0], $0xffff;
	v12 =	vor.u32 v7, v12  }
0x95: {  	v11 =	vld.idx.msk [tilespmem:v11+s12+$0x0], $0xffff  }
0x96: {  	s19 =	simm.s32 $0x2;
	v9 =	vimm.f32 $0.0e+00  }
.LBB2_15:
0x97: {  	p0 =	sne.s32 s19, $0x3F  }
.Ltmp6:
0x98: {  	v13 =	vadd.s32 s19, v0;
	(pc) =	sbr.rel @p0 .LBB2_15-.Ltmp6, $3  }
0x99: {  	s19 =	sadd.s32 $0x1, s19;
	v13 =	vand.u32 $0x3F, v13;
	v14 =	vmov v10;
	v10 =	vld.idx.msk [tilespmem:v12+s11+$0x0], $0xffff  }
0x9a: {  	v14 =	vmul.f32 v11, v14;
	v11 =	vld.idx.msk [tilespmem:v12+s12+$0x0], $0xffff;
	v12 =	vor.u32 v7, v13;
	_ =	sdelay $0x1  }
0x9b: {  	v9 =	vadd.f32 v14, v9  }
0x9c: {  	_ =	sdelay $0x3  }
0x9d: {  	v13 =	vld.idx.msk [tilespmem:v12+s11+$0x0], $0xffff  }
0x9e: {  	v12 =	vld.idx.msk [tilespmem:v12+s12+$0x0], $0xffff;
	_ =	sdelay $0x2  }
0x9f: {  	s19 =	simm.s32 $0x0;
	v10 =	vmul.f32 v11, v10  }
0xa0: {  	v11 =	vadd.s32 s19, v0  }
0xa1: {  	v11 =	vand.u32 $0x3F, v11;
	v9 =	vadd.f32 v10, v9;
	v10 =	vmul.f32 v12, v13  }
0xa2: {  	v12 =	vor.u32 v8, v11  }
0xa3: {  	v9 =	vadd.f32 v10, v9  }
0xa4: {  	s31 =	simm.s32 $0x1  }
0xa5: {  	[tilespmem:$0x160] =	vst v9;
	v9 =	vadd.s32 s31, v0  }
0xa6: {  	v11 =	vand.u32 $0x3F, v9  }
0xa7: {  	v10 =	vld.idx.msk [tilespmem:v12+s11+$0x0], $0xffff;
	v11 =	vor.u32 v8, v11  }
0xa8: {  	v12 =	vld.idx.msk [tilespmem:v12+s12+$0x0], $0xffff  }
0xa9: {  	s19 =	simm.s32 $0x2;
	v9 =	vimm.f32 $0.0e+00  }
.LBB2_17:
0xaa: {  	p0 =	sne.s32 s19, $0x3F  }
.Ltmp7:
0xab: {  	v13 =	vadd.s32 s19, v0;
	(pc) =	sbr.rel @p0 .LBB2_17-.Ltmp7, $3  }
0xac: {  	s19 =	sadd.s32 $0x1, s19;
	v13 =	vand.u32 $0x3F, v13;
	v14 =	vmov v10;
	v10 =	vld.idx.msk [tilespmem:v11+s11+$0x0], $0xffff  }
0xad: {  	v14 =	vmul.f32 v12, v14;
	v12 =	vld.idx.msk [tilespmem:v11+s12+$0x0], $0xffff;
	v11 =	vor.u32 v8, v13;
	_ =	sdelay $0x1  }
0xae: {  	v9 =	vadd.f32 v14, v9  }
0xaf: {  	_ =	sdelay $0x3  }
0xb0: {  	v13 =	vld.idx.msk [tilespmem:v11+s11+$0x0], $0xffff  }
0xb1: {  	v11 =	vld.idx.msk [tilespmem:v11+s12+$0x0], $0xffff;
	_ =	sdelay $0x2  }
0xb2: {  	v10 =	vmul.f32 v12, v10;
	_ =	sdelay $0x1  }
0xb3: {  	v9 =	vadd.f32 v10, v9;
	v10 =	vmul.f32 v11, v13;
	_ =	sdelay $0x1  }
0xb4: {  	s17 =	sadd.s32 $0x1, s17;
	v9 =	vadd.f32 v10, v9  }
0xb5: {  	p0 =	sne.s32 s17, $0x31  }
.Ltmp8:
0xb6: {  	s18 =	sadd.s32 s1, s18;
	[tilespmem:$0x170] =	vst v9;
	(pc) =	sbr.rel @p0 .LBB2_2-.Ltmp8, $4  }
0xb7: {  	[hbm4b:s18+s2] =	stream.linear.scatter [tilespmem:s15], [sflag:$0x3], $0x80, $0x38;
	[tilespmem:$0x4180] =	vst v63  }
0xb8: {  	_ =	swait.ge [sflag:s10], $0x80  }
0xb9: {  	[sflag:s10] =	ssyncset.done $0x0  }
0xba: {  	[sflag:s10] =	ssyncadd.s32 $0xFFFFFF80  }
0xbb: {  	s16 =	sadd.s32 $0x1, s16  }
0xbc: {  	p0 =	sne.s32 s16, s8  }
.Ltmp9:
0xbd: {  	_ = 	snop;
	(pc) =	sbr.rel @p0 .LBB2_1-.Ltmp9, $1  }
0xbe: {  	_ =	sdelay $0x3  }
0xbf: {  	_ =	sfence.sel $0x180000  }
0xc0: {  	[bflag:$0x0] =	sbarrier.arrive $0xFFFF  }
0xc1: {  	p0 =	sne.s32 s3, $0x0;
	_ =	strace $0x90000050  }
0xc2: {  	s0 =	sadd.s32 @!p0 $0x100000, s0;
	[bflag:$0x2] =	sbarrier.arrive $0xFFFF  }
0xc3: {  	[sflag:s0] =	ssyncadd.tile.s32 @!p0 $0x1;
	_ =	shalt  }
.Lfunc_end2:
_tile_overlayer_lowered:
.L_overlay_start_2:
0xc4: {  	(tag) =	ssettag $0x2  }
0xc5: {  	s0 =	rddreg [dreg:$0x0];
	s2 =	stileid.u32  }
0xc6: {  	s1 =	rddreg [dreg:$0x1];
	p0 =	sne.s32 s2, $0x0  }
0xc7: {  	s3 =	rddreg [dreg:$0x2];
	[bflag:$0x3] =	sbarrier.arrive $0xFFFF;
	s2 =	simm.s32 @!p0 $0x1C03  }
0xc8: {  	[timem:s3], [sflag:s2] =	dma.local @!p0 [hbm:s0], s1  }
0xc9: {  	s0 =	simm.s32 @!p0 $0x3  }
0xca: {  	_ =	swait.ge @!p0 [sflag:s0], s1  }
0xcb: {  	s1 =	ssub.s32 @!p0 $0x0, s1;
	[sflag:s0] =	ssyncset.done @!p0 $0x0  }
0xcc: {  	[sflag:s0] =	ssyncadd.s32 @!p0 s1  }
0xcd: {  	[bflag:$0x3] =	sbarrier.arrive $0xFFFF  }
0xce: {  	_ =	shalt  }

// kernel: kernel.9.cloned.1.call-start
scs
__scs_entry_jumppad:
0x0: {  	(pc) =	sbr.rel $0x88, $3  }
0x1: {  	(tag) =	ssettag $0x0;
	lr =	simm.s32 $0x1  }
0x2: {  	[smem:$0x3F9A] =	sst lr;
	_ =	strace $0xD0000000  }
0x3: {  	_ = 	snop  }
0x4: {  	_ = 	snop  }
0x5: {  	_ = 	snop  }
0x6: {  	_ = 	snop  }
0x7: {  	_ = 	snop  }
__scs_overlays_trampoline_lowered:
0x8: {  	[smem:$0x3FA9] =	sst s0  }
0x9: {  	[smem:$0x3FAA] =	sst s1  }
0xa: {  	[smem:$0x3FAB] =	sst s2  }
0xb: {  	[smem:$0x3FAC] =	sst s3  }
0xc: {  	[smem:$0x3FAD] =	sst s4  }
0xd: {  	[smem:$0x3FAE] =	sst s5  }
0xe: {  	[smem:$0x3FAF] =	sst s6  }
0xf: {  	[smem:$0x3FB0] =	sst s7  }
0x10: {  	[smem:$0x3FB1] =	sst s8  }
0x11: {  	[smem:$0x3FB2] =	sst s9;
	s0 =	simm.s32 @!p0 $0x0  }
0x12: {  	s1 =	sld [smem:$0x3F98];
	s0 =	simm.s32 @p0 $0x1  }
0x13: {  	[smem:$0x3FB3] =	sst s0;
	s0 =	simm.s32 @!p1 $0x0  }
0x14: {  	s2 =	sld [smem:$0x3F97];
	s0 =	simm.s32 @p1 $0x1  }
0x15: {  	[smem:$0x3FB4] =	sst s0;
	s0 =	simm.s32 @!p2 $0x0  }
0x16: {  	s3 =	sld [smem:$0x3FDB];
	s0 =	simm.s32 @p2 $0x1  }
0x17: {  	s4 =	simm.s32 $0x1BF5;
	[smem:$0x3FB6] =	sst s0  }
0x18: {  	s0 =	sld [smem:$0x3F99];
	_ =	swait.ge [sflag:s4], $0x0  }
0x19: {  	s7 =	sld [smem:$0x3F9A]  }
0x1a: {  	s8 =	sadd.s32 $0xFFFFE003, lr  }
0x1b: {  	s9 =	sadd.s32 $0xFFFFFEF7, lr;
	s5 =	simm.s32 $0xFFFFFFFF;
	p2 =	slt.u32 s8, $0xFFFFF086  }
0x1c: {  	p1 =	slt.u32 s9, $0xF7A;
	s5 =	simm.s32 @!p2 $0x0  }
0x1d: {  	s5 =	simm.s32 @p1 $0x1;
	p0 =	seq.s32 s7, s2  }
0x1e: {  	s7 =	smul.u32 @!p0 $0xF7A, s2;
	p2 =	seq.s32 @!p0 s5, $0x0  }
0x1f: {  	s9 =	smul.u32 $0xF7A, s1;
	s8 =	simm.s32 @!p0 $0x1BF5;
	p2 =	por !p2, p0  }
0x20: {  	[sflag:s8] =	ssyncset.s32 @!p0 $0xFFFFF086;
	s6 =	sadd.s32 @!p0 s3, s7;
	s7 =	simm.s32 @!p0 $0x108  }
0x21: {  	s3 =	sadd.s32 s3, s9;
	s6 =	sadd.s32 @!p0 $0x88, s6;
	s7 =	simm.s32 @p2 $0x1082  }
0x22: {  	[simem:s7], [sflag:s8] =	dma.local @!p0 [hbm:s6], $0xF7A  }
0x23: {  	s9 =	sor.u32 $0xD0000000, s2;
	s6 =	simm.s32 $0x108;
	_ =	swait.ge @!p0 [sflag:s8], $0x0  }
0x24: {  	s3 =	sadd.s32 $0x88, s3;
	s6 =	simm.s32 @!p1 $0x1082;
	[sflag:s4] =	ssyncset.s32 $0xFFFFF086  }
0x25: {  	[simem:s6], [sflag:s4] =	dma.local [hbm:s3], $0xF7A  }
0x26: {  	[smem:$0x3F9A] =	sst s1;
	(tag) =	ssettag s2;
	_ =	strace s9  }
0x27: {  	s1 =	sld [smem:$0x3FAA]  }
0x28: {  	s2 =	sld [smem:$0x3FAB]  }
0x29: {  	s4 =	sld [smem:$0x3FAD]  }
0x2a: {  	p0 =	seq.s32 s5, $0x0;
	s5 =	sld [smem:$0x3FAE]  }
0x2b: {  	s6 =	sld [smem:$0x3FAF]  }
0x2c: {  	s7 =	sld [smem:$0x3FB0]  }
0x2d: {  	s3 =	simm.s32 $0x108;
	s8 =	sld [smem:$0x3FB1]  }
0x2e: {  	s3 =	simm.s32 @!p0 $0x1082;
	s9 =	sld [smem:$0x3FB2]  }
0x2f: {  	lr =	sadd.s32 s0, s3;
	s0 =	sld [smem:$0x3FA9]  }
0x30: {  	s3 =	sld [smem:$0x3FAC]  }
0x31: {  	[smem:$0x3FB5] =	sst s10  }
0x32: {  	s10 =	sld [smem:$0x3FB3];
	_ =	sdelay $0x3  }
0x33: {  	p0 =	seq.s32 s10, $0x1;
	s10 =	sld [smem:$0x3FB5];
	_ =	sdelay $0x3  }
0x34: {  	[smem:$0x3FB5] =	sst s10  }
0x35: {  	s10 =	sld [smem:$0x3FB4];
	_ =	sdelay $0x3  }
0x36: {  	p1 =	seq.s32 s10, $0x1;
	s10 =	sld [smem:$0x3FB5];
	_ =	sdelay $0x3  }
0x37: {  	[smem:$0x3FB5] =	sst s10  }
0x38: {  	s10 =	sld [smem:$0x3FB6]  }
0x39: {  	_ = 	snop;
	(pc) =	sbr.ind lr, $3  }
0x3a: {  	_ = 	snop  }
0x3b: {  	_ = 	snop  }
0x3c: {  	p2 =	seq.s32 s10, $0x1;
	s10 =	sld [smem:$0x3FB5]  }
0x3d: {  	_ =	shalt  }
0x3e: {  	_ =	shalt  }
0x3f: {  	_ =	shalt  }
0x40: {  	_ =	shalt  }
0x41: {  	_ =	shalt  }
0x42: {  	_ =	shalt  }
0x43: {  	_ =	shalt  }
0x44: {  	_ =	shalt  }
0x45: {  	_ =	shalt  }
0x46: {  	_ =	shalt  }
0x47: {  	_ =	shalt  }
0x48: {  	_ =	shalt  }
0x49: {  	_ =	shalt  }
0x4a: {  	_ =	shalt  }
0x4b: {  	_ =	shalt  }
0x4c: {  	_ =	shalt  }
0x4d: {  	_ =	shalt  }
0x4e: {  	_ =	shalt  }
0x4f: {  	_ =	shalt  }
0x50: {  	_ =	shalt  }
0x51: {  	_ =	shalt  }
0x52: {  	_ =	shalt  }
0x53: {  	_ =	shalt  }
0x54: {  	_ =	shalt  }
0x55: {  	_ =	shalt  }
0x56: {  	_ =	shalt  }
0x57: {  	_ =	shalt  }
0x58: {  	_ =	shalt  }
0x59: {  	_ =	shalt  }
0x5a: {  	_ =	shalt  }
0x5b: {  	_ =	shalt  }
0x5c: {  	_ =	shalt  }
0x5d: {  	_ =	shalt  }
0x5e: {  	_ =	shalt  }
0x5f: {  	_ =	shalt  }
0x60: {  	_ =	shalt  }
0x61: {  	_ =	shalt  }
0x62: {  	_ =	shalt  }
0x63: {  	_ =	shalt  }
0x64: {  	_ =	shalt  }
0x65: {  	_ =	shalt  }
0x66: {  	_ =	shalt  }
0x67: {  	_ =	shalt  }
0x68: {  	_ =	shalt  }
0x69: {  	_ =	shalt  }
0x6a: {  	_ =	shalt  }
0x6b: {  	_ =	shalt  }
0x6c: {  	_ =	shalt  }
0x6d: {  	_ =	shalt  }
0x6e: {  	_ =	shalt  }
0x6f: {  	_ =	shalt  }
0x70: {  	_ =	shalt  }
0x71: {  	_ =	shalt  }
0x72: {  	_ =	shalt  }
0x73: {  	_ =	shalt  }
0x74: {  	_ =	shalt  }
0x75: {  	_ =	shalt  }
0x76: {  	_ =	shalt  }
0x77: {  	_ =	shalt  }
0x78: {  	_ =	shalt  }
0x79: {  	_ =	shalt  }
0x7a: {  	_ =	shalt  }
0x7b: {  	_ =	shalt  }
0x7c: {  	_ =	shalt  }
0x7d: {  	_ =	shalt  }
0x7e: {  	_ =	shalt  }
0x7f: {  	_ =	shalt  }
0x80: {  	_ =	shalt  }
0x81: {  	_ =	shalt  }
0x82: {  	_ =	shalt  }
0x83: {  	_ =	shalt  }
0x84: {  	_ =	shalt  }
0x85: {  	_ =	shalt  }
0x86: {  	_ =	shalt  }
0x87: {  	_ =	shalt  }
.Lfunc_end0:
.L_simem_size_0:
called_computation_lowered:
.L_overlay_start_0:
0x88: {  	s2 =	sld [smem:$0x3FD9]  }
0x89: {  	s3 =	sld [smem:$0x3FFE];
	_ =	sdelay $0x1  }
0x8a: {  	s1 =	srdreg.scid  }
0x8b: {  	s0 =	sand.u32 $0x1, s1  }
0x8c: {  	s17 =	sshll.u32 s0, $0xA;
	s2 =	sadd.s32 s3, s2  }
0x8d: {  	s2 =	sadd.s32 s2, s17  }
0x8e: {  	[smem:$0x3FC1] =	sst s2  }
0x8f: {  	_ = 	snop  }
0x90: {  	s2 =	sld [smem:$0x3FD0];
	(tm) =	ssettm $0x1  }
0x91: {  	s18 =	sld [smem:$0x3FFB];
	_ =	sdelay $0x3  }
0x92: {  	_ =	strace s18  }
0x93: {  	s3 =	sld [smem:$0x3FFC];
	_ =	sdelay $0x3  }
0x94: {  	_ =	strace s3  }
0x95: {  	s3 =	sld [smem:$0x3FFD];
	_ =	sdelay $0x3  }
0x96: {  	_ =	strace s3  }
0x97: {  	_ =	strace $0x8FFFFFFF  }
0x98: {  	s19 =	sld [smem:$0x3FDB];
	_ =	sdelay $0x1  }
0x99: {  	s4 =	simm.s32 $_scs_section_size  }
0x9a: {  	s5 =	simm.s32 $_size__tile_overlayer_lowered;
	s6 =	simm.s32 $_tile_overlayer_lowered  }
0x9b: {  	s22 =	simm.s32 $0x1BFF;
	s21 =	sshll.u32 s6, $0x1;
	s3 =	sadd.s32 s4, s19  }
0x9c: {  	s7 =	simm.s32 $0x0;
	s20 =	sshll.u32 s5, $0x1;
	s5 =	sadd.s32 s21, s3  }
0x9d: {  	[timem:s7], [sflag:s22] =	dma.local [hbm:s5], s20  }
0x9e: {  	_ =	swait.ge [sflag:s22], s20  }
0x9f: {  	s4 =	ssub.s32 $0x0, s20;
	[sflag:s22] =	ssyncset.done $0x0  }
0xa0: {  	[sflag:s22] =	ssyncadd.s32 s4;
	_ =	sdelay $0x1  }
0xa1: {  	s23 =	simm.s32 $0x1B8B  }
0xa2: {  	_ =	swait.ge [sflag:s23], $0x1  }
0xa3: {  	[sflag:s23] =	ssyncset.done $0x0  }
0xa4: {  	s25 =	simm.s32 $0x1B8E;
	s24 =	sld [smem:$0x3FFE];
	[sflag:s23] =	ssyncadd.s32 $0xFFFFFFFF  }
0xa5: {  	s26 =	simm.s32 $execute0_lowered;
	[smem:$0x3FD2] =	sst s25  }
0xa6: {  	s5 =	sshll.u32 s26, $0x1;
	_ =	strace $0x80000046;
	[dreg:$0x1] =	wrdreg $0xFFFFFFFF  }
0xa7: {  	s28 =	simm.s32 $_size_execute0_lowered;
	s3 =	sadd.s32 s3, s5;
	[dreg:$0x0] =	wrdreg $0x0  }
0xa8: {  	s5 =	sshll.u32 s28, $0x1;
	[dreg:$0x2] =	wrdreg s3  }
0xa9: {  	[dreg:$0x3] =	wrdreg s5  }
0xaa: {  	[dreg:$0x4] =	wrdreg $0xC0  }
0xab: {  	_ =	task [dreg:s7], $0x5FFFF  }
0xac: {  	[dreg:$0x1] =	wrdreg $0xFFFFFFFF  }
0xad: {  	[dreg:$0x0] =	wrdreg $0x60  }
0xae: {  	[dreg:$0x2] =	wrdreg s24  }
0xaf: {  	[dreg:$0x3] =	wrdreg s2  }
0xb0: {  	[dreg:$0x4] =	wrdreg $0x0  }
0xb1: {  	[dreg:$0x5] =	wrdreg $0x9  }
0xb2: {  	_ =	task.clear_ibuf [dreg:s7], $0x6FFFF;
	_ =	strace $0x90000046  }
0xb3: {  	s29 =	simm.s32 $0x9;
	_ =	strace $0x80000048  }
0xb4: {  	_ =	swait.ge [sflag:s29], $0x1  }
0xb5: {  	[sflag:s29] =	ssyncadd.s32 $0xFFFFFFFF  }
0xb6: {  	_ =	strace $0x90000048  }
0xb7: {  	_ =	sfence  }
0xb8: {  	s30 =	sld [smem:$0x0];
	_ =	sdelay $0x2  }
0xb9: {  	s31 =	sshll.u32 s1, $0xD;
	s1 =	sshrl.u32 s1, $0x2  }
0xba: {  	s3 =	sand.u32 $0x4000, s31;
	s1 =	sadd.s32 s1, s30  }
0xbb: {  	s0 =	sor.u32 s3, s0;
	s1 =	sshll.u32 s1, $0x11  }
0xbc: {  	s0 =	sor.u32 s1, s0  }
0xbd: {  	s0 =	sadd.s32 $0x8F2B, s0  }
0xbe: {  	[sflag:s0] =	ssyncadd.remote.s32 $0x1  }
0xbf: {  	_ =	sfence.sel $0xFFFF  }
0xc0: {  	[dreg:$0x0] =	wrdreg $0xFFFFFFFF;
	(pc) =	sbr.abs _section_cstart, $3  }
0xc1: {  	[dreg:$0x1] =	wrdreg $0xFFFFFFFF  }
0xc2: {  	_ =	task.clear_ibuf [dreg:s7], $0x2FFFF;
	_ =	strace $0x9FFFFFFF  }
0xc3: {  	(tm) =	ssettm $0x7FFFFFFF  }
tec
execute0_lowered:
.L_overlay_start_1:
0x0: {  	(tag) =	ssettag $0x1  }
0x1: {  	s4 =	rddreg [dreg:$0x0]  }
0x2: {  	s5 =	rddreg [dreg:$0x1]  }
0x3: {  	s0 =	srdreg.scid;
	s2 =	rddreg [dreg:$0x2]  }
0x4: {  	s1 =	rddreg [dreg:$0x3];
	s6 =	sand.u32 $0x1, s0  }
0x5: {  	s0 =	stileid.u32;
	s7 =	smul.u32 $0x27100, s6  }
0x6: {  	s3 =	simm.s32 $0x0;
	s10 =	simm.s32 $0x280;
	s8 =	smul.u32 $0x2710, s0  }
0x7: {  	s11 =	simm.s32 $0x50;
	s12 =	simm.s32 $0x2D0;
	s9 =	smul.u32 $0x280, s0  }
0x8: {  	s15 =	simm.s32 $0x0;
	[smem:$0x7FF] =	sst s3;
	s30 =	smul.u32 $0x2800, s6  }
0x9: {  	_ =	strace $0x80000047;
	s6 =	ssub.s32 $0x2, s6;
	s13 =	sshll.u32 s0, $0x6  }
0xa: {  	s31 =	sshrl.u32 s6, $0x1;
	s13 =	sor.u32 $0x1C01, s13;
	s7 =	sadd.s32 s8, s7  }
0xb: {  	s8 =	sadd.s32 s9, s30;
	s6 =	ssub.s32 s6, s31;
	s7 =	sshrl.u32 s7, $0x3  }
0xc: {  	s8 =	sshrl.u32 s8, $0x3;
	s6 =	smax.u32 s6, $0x1;
	s7 =	sadd.s32 s7, s4  }
0xd: {  	s4 =	sadd.s32 s9, s2;
	s5 =	sadd.s32 s5, s8;
	s8 =	simm.s32 $0x320  }
0xe: {  	v0 =	vimm.f32 $1.000000000e+00;
	v1 =	vimm.f32 $0.0e+00;
	s9 =	simm.s32 $0x1;
	s7 =	sadd.s32 $0xBC00, s7;
	s14 =	sshrl.u32 s4, $0x3  }
.LBB2_1:
0xf: {  	[tilespmem:$0x2D0] =	vst v0  }
0x10: {  	[tilespmem:$0x2E0] =	vst v0  }
0x11: {  	[tilespmem:$0x2F0] =	vst v0  }
0x12: {  	[tilespmem:$0x300] =	vst v0  }
0x13: {  	[tilespmem:$0x310] =	vst v0  }
0x14: {  	[tilespmem:$0x320] =	vst v1  }
0x15: {  	[tilespmem:$0x330] =	vst v1  }
0x16: {  	[tilespmem:$0x340] =	vst v1  }
0x17: {  	[tilespmem:$0x350] =	vst v1  }
0x18: {  	[tilespmem:$0x360] =	vst v1  }
0x19: {  	[tilespmem:$0x370] =	vst v1  }
0x1a: {  	[tilespmem:$0x380] =	vst v1  }
0x1b: {  	[tilespmem:$0x390] =	vst v1  }
0x1c: {  	[tilespmem:$0x3A0] =	vst v1  }
0x1d: {  	[tilespmem:$0x3B0] =	vst v1  }
0x1e: {  	[tilespmem:$0x3C0] =	vst v1  }
0x1f: {  	[tilespmem:$0x3D0] =	vst v1  }
0x20: {  	[tilespmem:$0x3E0] =	vst v1  }
0x21: {  	[tilespmem:$0x3F0] =	vst v1  }
0x22: {  	[tilespmem:$0x400] =	vst v1  }
0x23: {  	[tilespmem:$0x410] =	vst v1  }
0x24: {  	[tilespmem:$0x420] =	vst v1  }
0x25: {  	[tilespmem:$0x430] =	vst v1  }
0x26: {  	[tilespmem:$0x440] =	vst v1  }
0x27: {  	[tilespmem:$0x450] =	vst v1  }
0x28: {  	[tilespmem:$0x460] =	vst v1  }
0x29: {  	[tilespmem:$0x470] =	vst v1  }
0x2a: {  	[tilespmem:$0x480] =	vst v1  }
0x2b: {  	[tilespmem:$0x490] =	vst v1  }
0x2c: {  	[tilespmem:$0x4A0] =	vst v1  }
0x2d: {  	[tilespmem:$0x4B0] =	vst v1  }
0x2e: {  	[tilespmem:$0x4C0] =	vst v1  }
0x2f: {  	[tilespmem:$0x4D0] =	vst v1  }
0x30: {  	[tilespmem:$0x4E0] =	vst v1  }
0x31: {  	[tilespmem:$0x4F0] =	vst v1  }
0x32: {  	[tilespmem:$0x500] =	vst v1  }
0x33: {  	[tilespmem:$0x510] =	vst v1  }
0x34: {  	[tilespmem:$0x520] =	vst v1  }
0x35: {  	[tilespmem:$0x530] =	vst v1  }
0x36: {  	[tilespmem:$0x540] =	vst v1  }
0x37: {  	[tilespmem:$0x550] =	vst v1  }
0x38: {  	[tilespmem:$0x560] =	vst v1  }
0x39: {  	[tilespmem:$0x570] =	vst v1  }
0x3a: {  	[tilespmem:$0x580] =	vst v1  }
0x3b: {  	[tilespmem:$0x590] =	vst v1  }
0x3c: {  	[spmem:s4] =	stream.linear.scatter [tilespmem:s8], [sflag:$0x1], $0x280, $0x38;
	[tilespmem:$0x5A0] =	vst v63  }
0x3d: {  	_ =	swait.ge [sflag:s9], $0x280  }
0x3e: {  	[sflag:s9] =	ssyncset.done $0x0  }
0x3f: {  	[sflag:s9] =	ssyncadd.s32 $0xFFFFFD80  }
0x40: {  	s16 =	sadd.s32 $0x0, s7;
	[bflag:$0x0] =	sbarrier.arrive $0xFFFF  }
0x41: {  	[tilespmem:s10], [sflag:$0x1] =	stream.linear.gather [hbm4b:s16+s3], $0x50, $0x38;
	[tilespmem:$0x5A0] =	vst v63  }
0x42: {  	_ =	swait.ge [sflag:s9], $0x50  }
0x43: {  	[sflag:s9] =	ssyncset.done $0x0  }
0x44: {  	[sflag:s9] =	ssyncadd.s32 $0xFFFFFFB0  }
0x45: {  	[spmem:s2] =	stream.indirect.scatter.add.f32 [tilespmem:s12], [sflag:$0x1], $0x1, s10, s11, $0xb8;
	[tilespmem:$0x5A0] =	vst v63  }
0x46: {  	_ =	swait.ge [sflag:s9], $0x50  }
0x47: {  	s17 =	simm.s32 $0x14;
	s16 =	simm.s32 $0xA;
	[sflag:s9] =	ssyncset.done $0x0  }
.LBB2_2:
0x48: {  	s18 =	sadd.s32 s16, s7  }
0x49: {  	[sflag:s9] =	ssyncadd.s32 $0xFFFFFFB0;
	s16 =	smov.u32 s17;
	s19 =	sadd.s32 $0xA, s17  }
0x4a: {  	[tilespmem:s10], [sflag:$0x1] =	stream.linear.gather [hbm4b:s18+s3], $0x50, $0x38;
	[tilespmem:$0x5A0] =	vst v63  }
0x4b: {  	p0 =	sne.s32 s17, $0x4D8;
	_ =	swait.ge [sflag:s9], $0x50  }
.Ltmp0:
0x4c: {  	[sflag:s9] =	ssyncset.done $0x0;
	(pc) =	sbr.rel @p0 .LBB2_2-.Ltmp0, $4  }
0x4d: {  	[sflag:s9] =	ssyncadd.s32 $0xFFFFFFB0  }
0x4e: {  	[spmem:s2] =	stream.indirect.scatter.add.f32 [tilespmem:s12], [sflag:$0x1], $0x1, s10, s11, $0xb8;
	[tilespmem:$0x5A0] =	vst v63  }
0x4f: {  	_ =	swait.ge [sflag:s9], $0x50  }
0x50: {  	s17 =	smov.u32 s19;
	[sflag:s9] =	ssyncset.done $0x0  }
0x51: {  	s16 =	sadd.s32 s16, s7;
	[sflag:s9] =	ssyncadd.s32 $0xFFFFFFB0  }
0x52: {  	[tilespmem:s10], [sflag:$0x1] =	stream.linear.gather [hbm4b:s16+s3], $0x50, $0x38;
	[tilespmem:$0x5A0] =	vst v63  }
0x53: {  	_ =	swait.ge [sflag:s9], $0x50  }
0x54: {  	[sflag:s9] =	ssyncset.done $0x0  }
0x55: {  	[sflag:s9] =	ssyncadd.s32 $0xFFFFFFB0  }
0x56: {  	[spmem:s2] =	stream.indirect.scatter.add.f32 [tilespmem:s12], [sflag:$0x1], $0x1, s10, s11, $0xb8;
	[tilespmem:$0x5A0] =	vst v63  }
0x57: {  	_ =	swait.ge [sflag:s9], $0x50  }
0x58: {  	s15 =	sadd.s32 $0x1, s15;
	[sflag:s9] =	ssyncset.done $0x0  }
0x59: {  	p0 =	sne.s32 s15, s6;
	[sflag:s9] =	ssyncadd.s32 $0xFFFFFFB0  }
.Ltmp1:
0x5a: {  	[bflag:$0x0] =	sbarrier.arrive $0xFFFF;
	(pc) =	sbr.rel @p0 .LBB2_1-.Ltmp1, $4  }
0x5b: {  	[hbm:s5], [sflag:s13] =	dma.local [spmem:s14], $0x50  }
0x5c: {  	_ =	swait.ge [sflag:s9], $0x50  }
0x5d: {  	[sflag:s9] =	ssyncset.done $0x0  }
0x5e: {  	[sflag:s9] =	ssyncadd.s32 $0xFFFFFFB0  }
0x5f: {  	_ =	sfence.sel $0x180000  }
0x60: {  	[bflag:$0x0] =	sbarrier.arrive $0xFFFF  }
0x61: {  	p0 =	sne.s32 s0, $0x0;
	_ =	strace $0x90000047  }
0x62: {  	s0 =	sadd.s32 @!p0 $0x100000, s1;
	[bflag:$0x2] =	sbarrier.arrive $0xFFFF  }
0x63: {  	[sflag:s0] =	ssyncadd.tile.s32 @!p0 $0x1;
	_ =	shalt  }
.Lfunc_end2:
_tile_overlayer_lowered:
.L_overlay_start_2:
0x64: {  	(tag) =	ssettag $0x2  }
0x65: {  	s0 =	rddreg [dreg:$0x0];
	s2 =	stileid.u32  }
0x66: {  	s1 =	rddreg [dreg:$0x1];
	p0 =	sne.s32 s2, $0x0  }
0x67: {  	s3 =	rddreg [dreg:$0x2];
	[bflag:$0x3] =	sbarrier.arrive $0xFFFF;
	s2 =	simm.s32 @!p0 $0x1C01  }
0x68: {  	[timem:s3], [sflag:s2] =	dma.local @!p0 [hbm:s0], s1  }
0x69: {  	s0 =	simm.s32 @!p0 $0x1  }
0x6a: {  	_ =	swait.ge @!p0 [sflag:s0], s1  }
0x6b: {  	s1 =	ssub.s32 @!p0 $0x0, s1;
	[sflag:s0] =	ssyncset.done @!p0 $0x0  }
0x6c: {  	[sflag:s0] =	ssyncadd.s32 @!p0 s1  }
0x6d: {  	[bflag:$0x3] =	sbarrier.arrive $0xFFFF  }
0x6e: {  	_ =	shalt  }

</sc_bundles>
